<compile_context>
chip_gen: v7x
topology: tpu7x:2x2x1
jax: 0.10.2.dev20260603
libtpu: 0.0.44.dev20260713+nightly
codegen_flags: <defaults>
</compile_context>

<pallas_src>
import functools

import numpy as np

import jax
import jax.numpy as jnp
from jax import lax
from jax.experimental import pallas as pl
from jax.experimental.pallas import tpu as pltpu
from jax.experimental.pallas import tpu_sc as plsc

S = 128
E = 8
B = 1024
NC = 2
NS = 16
NW = NC * NS
TOK_W = B // NW
L = 16
NCH = S // L

OFF_W = 4 * S
OFF_WI = OFF_W + 2 * E * S
P_TOT = OFF_WI + 2 * E * S


_ANG = 2.0 * np.pi / S * ((np.arange(S)[:, None] * np.arange(S)[None, :]) % S)
_CW_NP = np.cos(_ANG).astype(np.float32)
_SW_NP = np.sin(_ANG).astype(np.float32)


def _prologue_body(mr_ref, mi_ref, tr_ref, ti_ref, cw_ref, sw_ref, p_ref):
    dot = functools.partial(
        lax.dot_general, preferred_element_type=jnp.float32,
        precision=lax.Precision.HIGHEST)
    dn_row = (((1,), (0,)), ((), ()))

    mr = mr_ref[:, :]
    mi = mi_ref[:, :]
    tr = tr_ref[:, :]
    ti = ti_ref[:, :]

    ex = jnp.exp(mr)
    cc = jnp.cos(mi)
    sn = jnp.sin(mi)
    zr = jnp.sum(ex * cc)
    zi = jnp.sum(ex * sn)

    ar = ex[0:1, :] * cc[0:1, :]
    ai = ex[0:1, :] * sn[0:1, :]
    br = ex[:, 0:1] * cc[:, 0:1]
    bi = ex[:, 0:1] * sn[:, 0:1]

    cw = cw_ref[:, :]
    sw = sw_ref[:, :]

    dn_col = (((0,), (0,)), ((), ()))
    vzr = dot(ar, cw, dimension_numbers=dn_row) + dot(
        ai, sw, dimension_numbers=dn_row)
    vzi = dot(ai, cw, dimension_numbers=dn_row) - dot(
        ar, sw, dimension_numbers=dn_row)
    uzr = dot(br, cw, dimension_numbers=dn_col) + dot(
        bi, sw, dimension_numbers=dn_col)
    uzi = dot(bi, cw, dimension_numbers=dn_col) - dot(
        br, sw, dimension_numbers=dn_col)

    den = zr * zr + zi * zi
    vr = (vzr * zr + vzi * zi) / den
    vi = (vzi * zr - vzr * zi) / den
    ur = (uzr * zr + uzi * zi) / den
    ui = (uzi * zr - uzr * zi) / den

    p_ref[0:4, :] = jnp.concatenate([vr, vi, ur, ui], axis=0)
    p_ref[4:4 + 2 * E, :] = 0.5 * jax.nn.sigmoid(tr)
    p_ref[4 + 2 * E:4 + 4 * E, :] = 0.5 * jax.nn.sigmoid(ti)


def _prologue(m_r, m_i, t_r, t_i):
    return pl.pallas_call(
        _prologue_body,
        out_shape=jax.ShapeDtypeStruct((4 + 4 * E, S), jnp.float32),
    )(m_r, m_i, t_r, t_i, jnp.asarray(_CW_NP), jnp.asarray(_SW_NP))


def _tree16(g):
    while len(g) > 1:
        g = [g[i] + g[i + 1] for i in range(0, len(g), 2)]
    return g[0]


def _sc_body(a_hbm, b_hbm, p_hbm, out_hbm, a_v, b_v, p_v, o_v, red_v, sum_v,
             e_v, sem):
    wid = lax.axis_index("c") * NS + lax.axis_index("s")
    base = wid * (TOK_W * S)
    cp_a = pltpu.async_copy(a_hbm.at[pl.ds(base, TOK_W * S)], a_v, sem)
    cp_b = pltpu.async_copy(b_hbm.at[pl.ds(base, TOK_W * S)], b_v, sem)
    cp_p = pltpu.async_copy(p_hbm, p_v, sem)
    cp_a.wait()
    cp_b.wait()
    cp_p.wait()

    lanes = lax.iota(jnp.int32, L)
    base16 = lanes * L
    cbase = OFF_W + (lanes & 7) * (2 * S)
    car = plsc.load_gather(p_v, [cbase])
    cbr = plsc.load_gather(p_v, [cbase + S])
    cai = plsc.load_gather(p_v, [cbase + 2 * E * S])
    cbi = plsc.load_gather(p_v, [cbase + 2 * E * S + S])

    def splat(ref, j):
        return plsc.load_gather(ref, [jnp.full((L,), j, jnp.int32)])

    TPB = 2

    def tok(t, carry):
        offs = [(TPB * t + i) * S for i in range(TPB)]
        acc = [jnp.zeros((L,), jnp.float32) for _ in range(6 * TPB)]
        for c in range(NCH):
            av = [a_v[pl.ds(o + c * L, L)] for o in offs]
            bv = [b_v[pl.ds(o + c * L, L)] for o in offs]
            vrc = p_v[pl.ds(0 * S + c * L, L)]
            vic = p_v[pl.ds(1 * S + c * L, L)]
            urc = p_v[pl.ds(2 * S + c * L, L)]
            uic = p_v[pl.ds(3 * S + c * L, L)]
            for i in range(TPB):
                j = 6 * i
                acc[j + 0] = acc[j + 0] + av[i]
                acc[j + 1] = acc[j + 1] + bv[i]
                acc[j + 2] = acc[j + 2] + bv[i] * vrc
                acc[j + 3] = acc[j + 3] + bv[i] * vic
                acc[j + 4] = acc[j + 4] + av[i] * urc
                acc[j + 5] = acc[j + 5] + av[i] * uic
        for h in range(TPB // 2):
            for j in range(6):
                red_v[pl.ds(h * 256 + (1 + j) * L, L)] = acc[12 * h + j]
                red_v[pl.ds(h * 256 + (9 + j) * L, L)] = acc[12 * h + 6 + j]
        for h in range(TPB // 2):
            sums = _tree16([
                plsc.load_gather(red_v, [base16 + h * 256 + k])
                for k in range(L)])
            sum_v[pl.ds(h * L, L)] = sums

        def route(sbase):
            sa = splat(sum_v, sbase + 1)
            sb = splat(sum_v, sbase + 2)
            par = splat(sum_v, sbase + 3)
            pai = splat(sum_v, sbase + 4)
            pbr = splat(sum_v, sbase + 5)
            pbi = splat(sum_v, sbase + 6)
            zar = sa * par
            zai = sa * pai
            zbr = sb * pbr
            zbi = sb * pbi
            re = zar * car + zai * cai + zbr * cbr + zbi * cbi
            im = zai * car - zar * cai + zbi * cbr - zbr * cbi
            sc = re * re + im * im
            sc = jnp.where(lanes < E, sc, -1.0)
            _, order = plsc.sort_key_val(sc, lanes, descending=True)
            return order

        orders = [route(8 * i) for i in range(TPB)]
        for i in range(TPB):
            e_v[pl.ds((2 * i) * L, L)] = orders[i]
            e_v[pl.ds((2 * i + 1) * L, L)] = orders[i]
        r1 = [OFF_W + splat(e_v, (2 * i + 1) * L) * (2 * S)
              for i in range(TPB)]
        r2 = [OFF_W + splat(e_v, 2 * i * L + 1) * (2 * S)
              for i in range(TPB)]
        for c in range(NCH):
            col = c * L + lanes
            was = [plsc.load_gather(p_v, [r1[i] + col]) + plsc.load_gather(
                p_v, [r2[i] + col]) for i in range(TPB)]
            wbs = [plsc.load_gather(
                p_v, [r1[i] + S + col]) + plsc.load_gather(
                p_v, [r2[i] + S + col]) for i in range(TPB)]
            for i in range(TPB):
                ac = a_v[pl.ds(offs[i] + c * L, L)]
                bc = b_v[pl.ds(offs[i] + c * L, L)]
                o_v[pl.ds(offs[i] + c * L, L)] = was[i] * ac + wbs[i] * bc
        return carry

    lax.fori_loop(0, TOK_W // TPB, tok, jnp.int32(0))
    pltpu.sync_copy(o_v, out_hbm.at[pl.ds(base, TOK_W * S)])


@functools.cache
def _sc_call():
    return pl.kernel(
        _sc_body,
        compiler_params=pltpu.CompilerParams(needs_layout_passes=False),
        out_type=jax.ShapeDtypeStruct((B * S,), jnp.float32),
        mesh=plsc.VectorSubcoreMesh(
            core_axis_name="c", subcore_axis_name="s", num_cores=NC,
            num_subcores=NS),
        scratch_types=[
            pltpu.VMEM((TOK_W * S,), jnp.float32),
            pltpu.VMEM((TOK_W * S,), jnp.float32),
            pltpu.VMEM((P_TOT,), jnp.float32),
            pltpu.VMEM((TOK_W * S,), jnp.float32),
            pltpu.VMEM((2 * L * L,), jnp.float32),
            pltpu.VMEM((2 * L,), jnp.float32),
            pltpu.VMEM((8 * L,), jnp.int32),
            pltpu.SemaphoreType.DMA,
        ],
    )


def kernel(a, b, mask_ri, tokens_ri):
    m_r = mask_ri[..., 0]
    m_i = mask_ri[..., 1]
    t_r = tokens_ri[..., 0].reshape(2 * E, S)
    t_i = tokens_ri[..., 1].reshape(2 * E, S)
    params = _prologue(m_r, m_i, t_r, t_i).reshape(-1)
    out = _sc_call()(a.reshape(B * S), b.reshape(B * S), params)
    return out.reshape(B, 1, S)

# --- scband reference (transcript-rebuilt; emitter-appended) ---
"""Pipeline reference for scband-knowledge-router-15908558864479 (READ-ONLY COPY).

The authoritative reference and input builder live on the scoring server;
editing this copy changes nothing except your own understanding.
"""

import jax, jax.numpy as jnp
import numpy as np

S = 128   # corrSamples
E = 8     # number of subfilters registered via addFilter
MAXK = 2  # maxk
B = 1024  # flattened token batch
C = 1     # curves per token (set to 1 to make the original icorrs shapes consistent)


def nsoftmax(x, dims):
    # softmax normalized jointly over the listed dims (complex-safe: exp works on complex)
    e = jnp.exp(x)
    s = e
    for d in dims:
        s = s.sum(axis=d, keepdims=True)
    return e / s


def isigmoid(x):
    # complex sigmoid applied componentwise to real and imaginary parts
    return jax.nn.sigmoid(x.real) + 1j * jax.nn.sigmoid(x.imag)


def correlation(x, y, isbasis):
    # FFT-space correlation; if isbasis, inputs are already FFT'd
    if not isbasis:
        x = jnp.fft.fft(x, n=S, axis=-1)
        y = jnp.fft.fft(y, n=S, axis=-1)
    return jnp.fft.ifft(x * jnp.conj(y), axis=-1)


def setup_inputs(seed: int = 0) -> dict:
    key = jax.random.key(seed)
    k1, k2, k3, k4 = jax.random.split(key, 4)
    a = jax.random.normal(k1, (B, C, S), dtype=jnp.float32)
    b = jax.random.normal(k2, (B, C, S), dtype=jnp.float32)
    # correlationMask parameter [S, S] complex, stored as real/imag pair for clean autodiff
    mask_ri = jax.random.normal(k3, (S, S, 2), dtype=jnp.float32) * 0.02
    # corrToken parameters of the E subfilters: [E, 2, S] complex, stored as real/imag pair
    tokens_ri = jax.random.normal(k4, (E, 2, S, 2), dtype=jnp.float32) * 0.02
    return {"a": a, "b": b, "mask_ri": mask_ri, "tokens_ri": tokens_ri}


def _forward(a, b, mask_ri, tokens_ri):
    mask = mask_ri[..., 0] + 1j * mask_ri[..., 1]          # [S, S]
    tokens = tokens_ri[..., 0] + 1j * tokens_ri[..., 1]    # [E, 2, S]

    afft = jnp.fft.fft(a, n=S, axis=-1)                    # [B, C, S]
    bfft = jnp.fft.fft(b, n=S, axis=-1)                    # [B, C, S]

    sm = nsoftmax(mask, dims=(-1, -2))                     # [S, S]
    superposition = afft[..., :, None] * bfft[..., None, :] * sm   # [B, C, S, S]
    afft2 = superposition.sum(axis=-1)                     # [B, C, S]
    bfft2 = superposition.sum(axis=-2)                     # [B, C, S]

    # implicitCorrelation of every subfilter against the superposed spectra
    selfcorr = isigmoid(tokens)                            # [E, 2, S]
    acorr = correlation(afft2[None], selfcorr[:, 0][:, None, None, :], True).mean(-1).mean(-1)  # [E, B]
    bcorr = correlation(bfft2[None], selfcorr[:, 1][:, None, None, :], True).mean(-1).mean(-1)  # [E, B]
    icorrs = (acorr + bcorr) / 2.0                         # [E, B] complex

    # per-token top-k filter routing (indices are non-differentiable constants)
    _, top_idx = jax.lax.top_k(jnp.abs(icorrs).T, MAXK)    # [B, MAXK]

    # concrete subfilter forward: a * sigmoid(Re tok[0]) + b * sigmoid(Re tok[1])
    w = jax.nn.sigmoid(tokens_ri[..., 0])                  # [E, 2, S]
    outs = a[None] * w[:, 0][:, None, None, :] + b[None] * w[:, 1][:, None, None, :]  # [E, B, C, S]
    outs_t = jnp.transpose(outs, (1, 0, 2, 3))             # [B, E, C, S]
    sel = jnp.take_along_axis(outs_t, top_idx[:, :, None, None], axis=1)  # [B, MAXK, C, S]
    result = sel.sum(axis=1) / MAXK                        # [B, C, S]
    return result


def reference(a, b, mask_ri, tokens_ri):
    return _forward(a, b, mask_ri, tokens_ri)

if __name__ == "__main__":
    import jax
    _d = setup_inputs()
    print(jax.jit(kernel)(*tuple(_d.values())))

</pallas_src>

<mosaic_0001>
#map = affine_map<(d0, d1) -> (0)>
module attributes {stable_mosaic.version = 14 : i64} {
  func.func @_sc_body(%arg0: i32, %arg1: i32, %arg2: memref<131072xf32, #tpu.memory_space<hbm>>, %arg3: memref<131072xf32, #tpu.memory_space<hbm>>, %arg4: memref<4608xf32, #tpu.memory_space<hbm>>, %arg5: memref<131072xf32, #tpu.memory_space<hbm>>, %arg6: memref<4096xf32, #tpu.memory_space<vmem>>, %arg7: memref<4096xf32, #tpu.memory_space<vmem>>, %arg8: memref<4608xf32, #tpu.memory_space<vmem>>, %arg9: memref<4096xf32, #tpu.memory_space<vmem>>, %arg10: memref<512xf32, #tpu.memory_space<vmem>>, %arg11: memref<32xf32, #tpu.memory_space<vmem>>, %arg12: memref<128xi32, #tpu.memory_space<vmem>>, %arg13: memref<!tpu.dma_semaphore, #tpu.memory_space<semaphore_mem>>) attributes {dimension_semantics = [#tpu.dimension_semantics<core_parallel>, #tpu.dimension_semantics<subcore_parallel>], iteration_bounds = array<i64: 2, 16>, scalar_prefetch = 0 : i64, scratch_operands = 8 : i64, tpu.core_type = #tpu.core_type<sc_vector_subcore>, window_params = [{transform_indices = #map}, {transform_indices = #map}, {transform_indices = #map}, {transform_indices = #map}]} {
    %mul3A = arith.constant 16 : i32
    %mul3A_0 = arith.muli %arg0, %mul3A : i32
    %add3A = arith.addi %mul3A_0, %arg1 : i32
    %mul3A_1 = arith.constant 4096 : i32
    %mul3A_2 = arith.muli %add3A, %mul3A_1 : i32
    %dma_start3A = tpu.memref_slice %arg2[%mul3A_2] : memref<131072xf32, #tpu.memory_space<hbm>> -> memref<4096xf32, #tpu.memory_space<hbm>>
    %dma_start3A_3 = tpu.memref_slice %arg2[%mul3A_2] : memref<131072xf32, #tpu.memory_space<hbm>> -> memref<4096xf32, #tpu.memory_space<hbm>>
    tpu.enqueue_dma source(%dma_start3A_3 : memref<4096xf32, #tpu.memory_space<hbm>>) target(%arg6 : memref<4096xf32, #tpu.memory_space<vmem>>) target_semaphore(%arg13 : memref<!tpu.dma_semaphore, #tpu.memory_space<semaphore_mem>>)
    %dma_start3A_4 = tpu.memref_slice %arg3[%mul3A_2] : memref<131072xf32, #tpu.memory_space<hbm>> -> memref<4096xf32, #tpu.memory_space<hbm>>
    %dma_start3A_5 = tpu.memref_slice %arg3[%mul3A_2] : memref<131072xf32, #tpu.memory_space<hbm>> -> memref<4096xf32, #tpu.memory_space<hbm>>
    tpu.enqueue_dma source(%dma_start3A_5 : memref<4096xf32, #tpu.memory_space<hbm>>) target(%arg7 : memref<4096xf32, #tpu.memory_space<vmem>>) target_semaphore(%arg13 : memref<!tpu.dma_semaphore, #tpu.memory_space<semaphore_mem>>)
    tpu.enqueue_dma source(%arg4 : memref<4608xf32, #tpu.memory_space<hbm>>) target(%arg8 : memref<4608xf32, #tpu.memory_space<vmem>>) target_semaphore(%arg13 : memref<!tpu.dma_semaphore, #tpu.memory_space<semaphore_mem>>)
    %dma_wait3A = tpu.memref_slice %arg2[%mul3A_2] : memref<131072xf32, #tpu.memory_space<hbm>> -> memref<4096xf32, #tpu.memory_space<hbm>>
    %dma_wait3A_6 = tpu.memref_slice %arg2[%mul3A_2] : memref<131072xf32, #tpu.memory_space<hbm>> -> memref<4096xf32, #tpu.memory_space<hbm>>
    tpu.wait_dma2 semaphore(%arg13 : memref<!tpu.dma_semaphore, #tpu.memory_space<semaphore_mem>>) src(%dma_wait3A_6 : memref<4096xf32, #tpu.memory_space<hbm>>) dst(%arg6 : memref<4096xf32, #tpu.memory_space<vmem>>)
    %dma_wait3A_7 = tpu.memref_slice %arg3[%mul3A_2] : memref<131072xf32, #tpu.memory_space<hbm>> -> memref<4096xf32, #tpu.memory_space<hbm>>
    %dma_wait3A_8 = tpu.memref_slice %arg3[%mul3A_2] : memref<131072xf32, #tpu.memory_space<hbm>> -> memref<4096xf32, #tpu.memory_space<hbm>>
    tpu.wait_dma2 semaphore(%arg13 : memref<!tpu.dma_semaphore, #tpu.memory_space<semaphore_mem>>) src(%dma_wait3A_8 : memref<4096xf32, #tpu.memory_space<hbm>>) dst(%arg7 : memref<4096xf32, #tpu.memory_space<vmem>>)
    tpu.wait_dma2 semaphore(%arg13 : memref<!tpu.dma_semaphore, #tpu.memory_space<semaphore_mem>>) src(%arg4 : memref<4608xf32, #tpu.memory_space<hbm>>) dst(%arg8 : memref<4608xf32, #tpu.memory_space<vmem>>)
    %iota3A = tpu.iota {dimensions = array<i32: 0>} : vector<16xi32>
    %mul3A_9 = arith.constant 16 : i32
    %mul3A_10 = vector.broadcast %mul3A_9 : i32 to vector<16xi32>
    %mul3A_11 = arith.muli %iota3A, %mul3A_10 : vector<16xi32>
    %and3A = arith.constant 7 : i32
    %and3A_12 = vector.broadcast %and3A : i32 to vector<16xi32>
    %and3A_13 = arith.andi %iota3A, %and3A_12 : vector<16xi32>
    %mul3A_14 = arith.constant 256 : i32
    %mul3A_15 = vector.broadcast %mul3A_14 : i32 to vector<16xi32>
    %mul3A_16 = arith.muli %and3A_13, %mul3A_15 : vector<16xi32>
    %add3A_17 = arith.constant 512 : i32
    %add3A_18 = vector.broadcast %add3A_17 : i32 to vector<16xi32>
    %add3A_19 = arith.addi %add3A_18, %mul3A_16 : vector<16xi32>
    %gather3A = tpu.vector_load_idx %arg8[%add3A_19] : memref<4608xf32, #tpu.memory_space<vmem>>[vector<16xi32>], vector<16xf32>,
    %add3A_20 = arith.constant 128 : i32
    %add3A_21 = vector.broadcast %add3A_20 : i32 to vector<16xi32>
    %add3A_22 = arith.addi %add3A_19, %add3A_21 : vector<16xi32>
    %gather3A_23 = tpu.vector_load_idx %arg8[%add3A_22] : memref<4608xf32, #tpu.memory_space<vmem>>[vector<16xi32>], vector<16xf32>,
    %add3A_24 = arith.constant 2048 : i32
    %add3A_25 = vector.broadcast %add3A_24 : i32 to vector<16xi32>
    %add3A_26 = arith.addi %add3A_19, %add3A_25 : vector<16xi32>
    %gather3A_27 = tpu.vector_load_idx %arg8[%add3A_26] : memref<4608xf32, #tpu.memory_space<vmem>>[vector<16xi32>], vector<16xf32>,
    %add3A_28 = arith.constant 2048 : i32
    %add3A_29 = vector.broadcast %add3A_28 : i32 to vector<16xi32>
    %add3A_30 = arith.addi %add3A_19, %add3A_29 : vector<16xi32>
    %add3A_31 = arith.constant 128 : i32
    %add3A_32 = vector.broadcast %add3A_31 : i32 to vector<16xi32>
    %add3A_33 = arith.addi %add3A_30, %add3A_32 : vector<16xi32>
    %gather3A_34 = tpu.vector_load_idx %arg8[%add3A_33] : memref<4608xf32, #tpu.memory_space<vmem>>[vector<16xi32>], vector<16xf32>,
    %scan3A = arith.constant 0 : i32
    %scan3A_35 = arith.constant 0 : i32
    %scan3A_36 = arith.constant 16 : i32
    %scan3A_37 = arith.addi %scan3A_35, %scan3A_36 : i32
    %scan3A_38 = arith.constant 1 : i32
    scf.for %scan3A_40 = %scan3A_35 to %scan3A_37 step %scan3A_38  : i32 {
      %mul3A_41 = arith.constant 2 : i32
      %mul3A_42 = arith.muli %mul3A_41, %scan3A_40 : i32
      %add3A_43 = arith.constant 0 : i32
      %add3A_44 = arith.addi %mul3A_42, %add3A_43 : i32
      %mul3A_45 = arith.constant 128 : i32
      %mul3A_46 = arith.muli %add3A_44, %mul3A_45 : i32
      %mul3A_47 = arith.constant 2 : i32
      %mul3A_48 = arith.muli %mul3A_47, %scan3A_40 : i32
      %add3A_49 = arith.constant 1 : i32
      %add3A_50 = arith.addi %mul3A_48, %add3A_49 : i32
      %mul3A_51 = arith.constant 128 : i32
      %mul3A_52 = arith.muli %add3A_50, %mul3A_51 : i32
      %broadcast_in_dim3A = arith.constant 0.000000e+00 : f32
      %broadcast_in_dim3A_53 = vector.broadcast %broadcast_in_dim3A : f32 to vector<16xf32>
      %broadcast_in_dim3A_54 = arith.constant 0.000000e+00 : f32
      %broadcast_in_dim3A_55 = vector.broadcast %broadcast_in_dim3A_54 : f32 to vector<16xf32>
      %broadcast_in_dim3A_56 = arith.constant 0.000000e+00 : f32
      %broadcast_in_dim3A_57 = vector.broadcast %broadcast_in_dim3A_56 : f32 to vector<16xf32>
      %broadcast_in_dim3A_58 = arith.constant 0.000000e+00 : f32
      %broadcast_in_dim3A_59 = vector.broadcast %broadcast_in_dim3A_58 : f32 to vector<16xf32>
      %broadcast_in_dim3A_60 = arith.constant 0.000000e+00 : f32
      %broadcast_in_dim3A_61 = vector.broadcast %broadcast_in_dim3A_60 : f32 to vector<16xf32>
      %broadcast_in_dim3A_62 = arith.constant 0.000000e+00 : f32
      %broadcast_in_dim3A_63 = vector.broadcast %broadcast_in_dim3A_62 : f32 to vector<16xf32>
      %broadcast_in_dim3A_64 = arith.constant 0.000000e+00 : f32
      %broadcast_in_dim3A_65 = vector.broadcast %broadcast_in_dim3A_64 : f32 to vector<16xf32>
      %broadcast_in_dim3A_66 = arith.constant 0.000000e+00 : f32
      %broadcast_in_dim3A_67 = vector.broadcast %broadcast_in_dim3A_66 : f32 to vector<16xf32>
      %broadcast_in_dim3A_68 = arith.constant 0.000000e+00 : f32
      %broadcast_in_dim3A_69 = vector.broadcast %broadcast_in_dim3A_68 : f32 to vector<16xf32>
      %broadcast_in_dim3A_70 = arith.constant 0.000000e+00 : f32
      %broadcast_in_dim3A_71 = vector.broadcast %broadcast_in_dim3A_70 : f32 to vector<16xf32>
      %broadcast_in_dim3A_72 = arith.constant 0.000000e+00 : f32
      %broadcast_in_dim3A_73 = vector.broadcast %broadcast_in_dim3A_72 : f32 to vector<16xf32>
      %broadcast_in_dim3A_74 = arith.constant 0.000000e+00 : f32
      %broadcast_in_dim3A_75 = vector.broadcast %broadcast_in_dim3A_74 : f32 to vector<16xf32>
      %add3A_76 = arith.constant 0 : i32
      %add3A_77 = arith.addi %mul3A_46, %add3A_76 : i32
      %get3A = arith.index_cast %add3A_77 : i32 to index
      %get3A_78 = tpu.vector_load %arg6[%get3A] {strides = array<i32>} : memref<4096xf32, #tpu.memory_space<vmem>>, vector<16xf32>,
      %add3A_79 = arith.constant 0 : i32
      %add3A_80 = arith.addi %mul3A_52, %add3A_79 : i32
      %get3A_81 = arith.index_cast %add3A_80 : i32 to index
      %get3A_82 = tpu.vector_load %arg6[%get3A_81] {strides = array<i32>} : memref<4096xf32, #tpu.memory_space<vmem>>, vector<16xf32>,
      %add3A_83 = arith.constant 0 : i32
      %add3A_84 = arith.addi %mul3A_46, %add3A_83 : i32
      %get3A_85 = arith.index_cast %add3A_84 : i32 to index
      %get3A_86 = tpu.vector_load %arg7[%get3A_85] {strides = array<i32>} : memref<4096xf32, #tpu.memory_space<vmem>>, vector<16xf32>,
      %add3A_87 = arith.constant 0 : i32
      %add3A_88 = arith.addi %mul3A_52, %add3A_87 : i32
      %get3A_89 = arith.index_cast %add3A_88 : i32 to index
      %get3A_90 = tpu.vector_load %arg7[%get3A_89] {strides = array<i32>} : memref<4096xf32, #tpu.memory_space<vmem>>, vector<16xf32>,
      %get3A_91 = arith.constant 0 : index
      %get3A_92 = tpu.vector_load %arg8[%get3A_91] {strides = array<i32>} : memref<4608xf32, #tpu.memory_space<vmem>>, vector<16xf32>,
      %get3A_93 = arith.constant 128 : index
      %get3A_94 = tpu.vector_load %arg8[%get3A_93] {strides = array<i32>} : memref<4608xf32, #tpu.memory_space<vmem>>, vector<16xf32>,
      %get3A_95 = arith.constant 256 : index
      %get3A_96 = tpu.vector_load %arg8[%get3A_95] {strides = array<i32>} : memref<4608xf32, #tpu.memory_space<vmem>>, vector<16xf32>,
      %get3A_97 = arith.constant 384 : index
      %get3A_98 = tpu.vector_load %arg8[%get3A_97] {strides = array<i32>} : memref<4608xf32, #tpu.memory_space<vmem>>, vector<16xf32>,
      %add3A_99 = arith.addf %broadcast_in_dim3A_53, %get3A_78 : vector<16xf32>
      %add3A_100 = arith.addf %broadcast_in_dim3A_55, %get3A_86 : vector<16xf32>
      %mul3A_101 = arith.mulf %get3A_86, %get3A_92 : vector<16xf32>
      %add3A_102 = arith.addf %broadcast_in_dim3A_57, %mul3A_101 : vector<16xf32>
      %mul3A_103 = arith.mulf %get3A_86, %get3A_94 : vector<16xf32>
      %add3A_104 = arith.addf %broadcast_in_dim3A_59, %mul3A_103 : vector<16xf32>
      %mul3A_105 = arith.mulf %get3A_78, %get3A_96 : vector<16xf32>
      %add3A_106 = arith.addf %broadcast_in_dim3A_61, %mul3A_105 : vector<16xf32>
      %mul3A_107 = arith.mulf %get3A_78, %get3A_98 : vector<16xf32>
      %add3A_108 = arith.addf %broadcast_in_dim3A_63, %mul3A_107 : vector<16xf32>
      %add3A_109 = arith.addf %broadcast_in_dim3A_65, %get3A_82 : vector<16xf32>
      %add3A_110 = arith.addf %broadcast_in_dim3A_67, %get3A_90 : vector<16xf32>
      %mul3A_111 = arith.mulf %get3A_90, %get3A_92 : vector<16xf32>
      %add3A_112 = arith.addf %broadcast_in_dim3A_69, %mul3A_111 : vector<16xf32>
      %mul3A_113 = arith.mulf %get3A_90, %get3A_94 : vector<16xf32>
      %add3A_114 = arith.addf %broadcast_in_dim3A_71, %mul3A_113 : vector<16xf32>
      %mul3A_115 = arith.mulf %get3A_82, %get3A_96 : vector<16xf32>
      %add3A_116 = arith.addf %broadcast_in_dim3A_73, %mul3A_115 : vector<16xf32>
      %mul3A_117 = arith.mulf %get3A_82, %get3A_98 : vector<16xf32>
      %add3A_118 = arith.addf %broadcast_in_dim3A_75, %mul3A_117 : vector<16xf32>
      %add3A_119 = arith.constant 16 : i32
      %add3A_120 = arith.addi %mul3A_46, %add3A_119 : i32
      %get3A_121 = arith.index_cast %add3A_120 : i32 to index
      %get3A_122 = tpu.vector_load %arg6[%get3A_121] {strides = array<i32>} : memref<4096xf32, #tpu.memory_space<vmem>>, vector<16xf32>,
      %add3A_123 = arith.constant 16 : i32
      %add3A_124 = arith.addi %mul3A_52, %add3A_123 : i32
      %get3A_125 = arith.index_cast %add3A_124 : i32 to index
      %get3A_126 = tpu.vector_load %arg6[%get3A_125] {strides = array<i32>} : memref<4096xf32, #tpu.memory_space<vmem>>, vector<16xf32>,
      %add3A_127 = arith.constant 16 : i32
      %add3A_128 = arith.addi %mul3A_46, %add3A_127 : i32
      %get3A_129 = arith.index_cast %add3A_128 : i32 to index
      %get3A_130 = tpu.vector_load %arg7[%get3A_129] {strides = array<i32>} : memref<4096xf32, #tpu.memory_space<vmem>>, vector<16xf32>,
      %add3A_131 = arith.constant 16 : i32
      %add3A_132 = arith.addi %mul3A_52, %add3A_131 : i32
      %get3A_133 = arith.index_cast %add3A_132 : i32 to index
      %get3A_134 = tpu.vector_load %arg7[%get3A_133] {strides = array<i32>} : memref<4096xf32, #tpu.memory_space<vmem>>, vector<16xf32>,
      %get3A_135 = arith.constant 16 : index
      %get3A_136 = tpu.vector_load %arg8[%get3A_135] {strides = array<i32>} : memref<4608xf32, #tpu.memory_space<vmem>>, vector<16xf32>,
      %get3A_137 = arith.constant 144 : index
      %get3A_138 = tpu.vector_load %arg8[%get3A_137] {strides = array<i32>} : memref<4608xf32, #tpu.memory_space<vmem>>, vector<16xf32>,
      %get3A_139 = arith.constant 272 : index
      %get3A_140 = tpu.vector_load %arg8[%get3A_139] {strides = array<i32>} : memref<4608xf32, #tpu.memory_space<vmem>>, vector<16xf32>,
      %get3A_141 = arith.constant 400 : index
      %get3A_142 = tpu.vector_load %arg8[%get3A_141] {strides = array<i32>} : memref<4608xf32, #tpu.memory_space<vmem>>, vector<16xf32>,
      %add3A_143 = arith.addf %add3A_99, %get3A_122 : vector<16xf32>
      %add3A_144 = arith.addf %add3A_100, %get3A_130 : vector<16xf32>
      %mul3A_145 = arith.mulf %get3A_130, %get3A_136 : vector<16xf32>
      %add3A_146 = arith.addf %add3A_102, %mul3A_145 : vector<16xf32>
      %mul3A_147 = arith.mulf %get3A_130, %get3A_138 : vector<16xf32>
      %add3A_148 = arith.addf %add3A_104, %mul3A_147 : vector<16xf32>
      %mul3A_149 = arith.mulf %get3A_122, %get3A_140 : vector<16xf32>
      %add3A_150 = arith.addf %add3A_106, %mul3A_149 : vector<16xf32>
      %mul3A_151 = arith.mulf %get3A_122, %get3A_142 : vector<16xf32>
      %add3A_152 = arith.addf %add3A_108, %mul3A_151 : vector<16xf32>
      %add3A_153 = arith.addf %add3A_109, %get3A_126 : vector<16xf32>
      %add3A_154 = arith.addf %add3A_110, %get3A_134 : vector<16xf32>
      %mul3A_155 = arith.mulf %get3A_134, %get3A_136 : vector<16xf32>
      %add3A_156 = arith.addf %add3A_112, %mul3A_155 : vector<16xf32>
      %mul3A_157 = arith.mulf %get3A_134, %get3A_138 : vector<16xf32>
      %add3A_158 = arith.addf %add3A_114, %mul3A_157 : vector<16xf32>
      %mul3A_159 = arith.mulf %get3A_126, %get3A_140 : vector<16xf32>
      %add3A_160 = arith.addf %add3A_116, %mul3A_159 : vector<16xf32>
      %mul3A_161 = arith.mulf %get3A_126, %get3A_142 : vector<16xf32>
      %add3A_162 = arith.addf %add3A_118, %mul3A_161 : vector<16xf32>
      %add3A_163 = arith.constant 32 : i32
      %add3A_164 = arith.addi %mul3A_46, %add3A_163 : i32
      %get3A_165 = arith.index_cast %add3A_164 : i32 to index
      %get3A_166 = tpu.vector_load %arg6[%get3A_165] {strides = array<i32>} : memref<4096xf32, #tpu.memory_space<vmem>>, vector<16xf32>,
      %add3A_167 = arith.constant 32 : i32
      %add3A_168 = arith.addi %mul3A_52, %add3A_167 : i32
      %get3A_169 = arith.index_cast %add3A_168 : i32 to index
      %get3A_170 = tpu.vector_load %arg6[%get3A_169] {strides = array<i32>} : memref<4096xf32, #tpu.memory_space<vmem>>, vector<16xf32>,
      %add3A_171 = arith.constant 32 : i32
      %add3A_172 = arith.addi %mul3A_46, %add3A_171 : i32
      %get3A_173 = arith.index_cast %add3A_172 : i32 to index
      %get3A_174 = tpu.vector_load %arg7[%get3A_173] {strides = array<i32>} : memref<4096xf32, #tpu.memory_space<vmem>>, vector<16xf32>,
      %add3A_175 = arith.constant 32 : i32
      %add3A_176 = arith.addi %mul3A_52, %add3A_175 : i32
      %get3A_177 = arith.index_cast %add3A_176 : i32 to index
      %get3A_178 = tpu.vector_load %arg7[%get3A_177] {strides = array<i32>} : memref<4096xf32, #tpu.memory_space<vmem>>, vector<16xf32>,
      %get3A_179 = arith.constant 32 : index
      %get3A_180 = tpu.vector_load %arg8[%get3A_179] {strides = array<i32>} : memref<4608xf32, #tpu.memory_space<vmem>>, vector<16xf32>,
      %get3A_181 = arith.constant 160 : index
      %get3A_182 = tpu.vector_load %arg8[%get3A_181] {strides = array<i32>} : memref<4608xf32, #tpu.memory_space<vmem>>, vector<16xf32>,
      %get3A_183 = arith.constant 288 : index
      %get3A_184 = tpu.vector_load %arg8[%get3A_183] {strides = array<i32>} : memref<4608xf32, #tpu.memory_space<vmem>>, vector<16xf32>,
      %get3A_185 = arith.constant 416 : index
      %get3A_186 = tpu.vector_load %arg8[%get3A_185] {strides = array<i32>} : memref<4608xf32, #tpu.memory_space<vmem>>, vector<16xf32>,
      %add3A_187 = arith.addf %add3A_143, %get3A_166 : vector<16xf32>
      %add3A_188 = arith.addf %add3A_144, %get3A_174 : vector<16xf32>
      %mul3A_189 = arith.mulf %get3A_174, %get3A_180 : vector<16xf32>
      %add3A_190 = arith.addf %add3A_146, %mul3A_189 : vector<16xf32>
      %mul3A_191 = arith.mulf %get3A_174, %get3A_182 : vector<16xf32>
      %add3A_192 = arith.addf %add3A_148, %mul3A_191 : vector<16xf32>
      %mul3A_193 = arith.mulf %get3A_166, %get3A_184 : vector<16xf32>
      %add3A_194 = arith.addf %add3A_150, %mul3A_193 : vector<16xf32>
      %mul3A_195 = arith.mulf %get3A_166, %get3A_186 : vector<16xf32>
      %add3A_196 = arith.addf %add3A_152, %mul3A_195 : vector<16xf32>
      %add3A_197 = arith.addf %add3A_153, %get3A_170 : vector<16xf32>
      %add3A_198 = arith.addf %add3A_154, %get3A_178 : vector<16xf32>
      %mul3A_199 = arith.mulf %get3A_178, %get3A_180 : vector<16xf32>
      %add3A_200 = arith.addf %add3A_156, %mul3A_199 : vector<16xf32>
      %mul3A_201 = arith.mulf %get3A_178, %get3A_182 : vector<16xf32>
      %add3A_202 = arith.addf %add3A_158, %mul3A_201 : vector<16xf32>
      %mul3A_203 = arith.mulf %get3A_170, %get3A_184 : vector<16xf32>
      %add3A_204 = arith.addf %add3A_160, %mul3A_203 : vector<16xf32>
      %mul3A_205 = arith.mulf %get3A_170, %get3A_186 : vector<16xf32>
      %add3A_206 = arith.addf %add3A_162, %mul3A_205 : vector<16xf32>
      %add3A_207 = arith.constant 48 : i32
      %add3A_208 = arith.addi %mul3A_46, %add3A_207 : i32
      %get3A_209 = arith.index_cast %add3A_208 : i32 to index
      %get3A_210 = tpu.vector_load %arg6[%get3A_209] {strides = array<i32>} : memref<4096xf32, #tpu.memory_space<vmem>>, vector<16xf32>,
      %add3A_211 = arith.constant 48 : i32
      %add3A_212 = arith.addi %mul3A_52, %add3A_211 : i32
      %get3A_213 = arith.index_cast %add3A_212 : i32 to index
      %get3A_214 = tpu.vector_load %arg6[%get3A_213] {strides = array<i32>} : memref<4096xf32, #tpu.memory_space<vmem>>, vector<16xf32>,
      %add3A_215 = arith.constant 48 : i32
      %add3A_216 = arith.addi %mul3A_46, %add3A_215 : i32
      %get3A_217 = arith.index_cast %add3A_216 : i32 to index
      %get3A_218 = tpu.vector_load %arg7[%get3A_217] {strides = array<i32>} : memref<4096xf32, #tpu.memory_space<vmem>>, vector<16xf32>,
      %add3A_219 = arith.constant 48 : i32
      %add3A_220 = arith.addi %mul3A_52, %add3A_219 : i32
      %get3A_221 = arith.index_cast %add3A_220 : i32 to index
      %get3A_222 = tpu.vector_load %arg7[%get3A_221] {strides = array<i32>} : memref<4096xf32, #tpu.memory_space<vmem>>, vector<16xf32>,
      %get3A_223 = arith.constant 48 : index
      %get3A_224 = tpu.vector_load %arg8[%get3A_223] {strides = array<i32>} : memref<4608xf32, #tpu.memory_space<vmem>>, vector<16xf32>,
      %get3A_225 = arith.constant 176 : index
      %get3A_226 = tpu.vector_load %arg8[%get3A_225] {strides = array<i32>} : memref<4608xf32, #tpu.memory_space<vmem>>, vector<16xf32>,
      %get3A_227 = arith.constant 304 : index
      %get3A_228 = tpu.vector_load %arg8[%get3A_227] {strides = array<i32>} : memref<4608xf32, #tpu.memory_space<vmem>>, vector<16xf32>,
      %get3A_229 = arith.constant 432 : index
      %get3A_230 = tpu.vector_load %arg8[%get3A_229] {strides = array<i32>} : memref<4608xf32, #tpu.memory_space<vmem>>, vector<16xf32>,
      %add3A_231 = arith.addf %add3A_187, %get3A_210 : vector<16xf32>
      %add3A_232 = arith.addf %add3A_188, %get3A_218 : vector<16xf32>
      %mul3A_233 = arith.mulf %get3A_218, %get3A_224 : vector<16xf32>
      %add3A_234 = arith.addf %add3A_190, %mul3A_233 : vector<16xf32>
      %mul3A_235 = arith.mulf %get3A_218, %get3A_226 : vector<16xf32>
      %add3A_236 = arith.addf %add3A_192, %mul3A_235 : vector<16xf32>
      %mul3A_237 = arith.mulf %get3A_210, %get3A_228 : vector<16xf32>
      %add3A_238 = arith.addf %add3A_194, %mul3A_237 : vector<16xf32>
      %mul3A_239 = arith.mulf %get3A_210, %get3A_230 : vector<16xf32>
      %add3A_240 = arith.addf %add3A_196, %mul3A_239 : vector<16xf32>
      %add3A_241 = arith.addf %add3A_197, %get3A_214 : vector<16xf32>
      %add3A_242 = arith.addf %add3A_198, %get3A_222 : vector<16xf32>
      %mul3A_243 = arith.mulf %get3A_222, %get3A_224 : vector<16xf32>
      %add3A_244 = arith.addf %add3A_200, %mul3A_243 : vector<16xf32>
      %mul3A_245 = arith.mulf %get3A_222, %get3A_226 : vector<16xf32>
      %add3A_246 = arith.addf %add3A_202, %mul3A_245 : vector<16xf32>
      %mul3A_247 = arith.mulf %get3A_214, %get3A_228 : vector<16xf32>
      %add3A_248 = arith.addf %add3A_204, %mul3A_247 : vector<16xf32>
      %mul3A_249 = arith.mulf %get3A_214, %get3A_230 : vector<16xf32>
      %add3A_250 = arith.addf %add3A_206, %mul3A_249 : vector<16xf32>
      %add3A_251 = arith.constant 64 : i32
      %add3A_252 = arith.addi %mul3A_46, %add3A_251 : i32
      %get3A_253 = arith.index_cast %add3A_252 : i32 to index
      %get3A_254 = tpu.vector_load %arg6[%get3A_253] {strides = array<i32>} : memref<4096xf32, #tpu.memory_space<vmem>>, vector<16xf32>,
      %add3A_255 = arith.constant 64 : i32
      %add3A_256 = arith.addi %mul3A_52, %add3A_255 : i32
      %get3A_257 = arith.index_cast %add3A_256 : i32 to index
      %get3A_258 = tpu.vector_load %arg6[%get3A_257] {strides = array<i32>} : memref<4096xf32, #tpu.memory_space<vmem>>, vector<16xf32>,
      %add3A_259 = arith.constant 64 : i32
      %add3A_260 = arith.addi %mul3A_46, %add3A_259 : i32
      %get3A_261 = arith.index_cast %add3A_260 : i32 to index
      %get3A_262 = tpu.vector_load %arg7[%get3A_261] {strides = array<i32>} : memref<4096xf32, #tpu.memory_space<vmem>>, vector<16xf32>,
      %add3A_263 = arith.constant 64 : i32
      %add3A_264 = arith.addi %mul3A_52, %add3A_263 : i32
      %get3A_265 = arith.index_cast %add3A_264 : i32 to index
      %get3A_266 = tpu.vector_load %arg7[%get3A_265] {strides = array<i32>} : memref<4096xf32, #tpu.memory_space<vmem>>, vector<16xf32>,
      %get3A_267 = arith.constant 64 : index
      %get3A_268 = tpu.vector_load %arg8[%get3A_267] {strides = array<i32>} : memref<4608xf32, #tpu.memory_space<vmem>>, vector<16xf32>,
      %get3A_269 = arith.constant 192 : index
      %get3A_270 = tpu.vector_load %arg8[%get3A_269] {strides = array<i32>} : memref<4608xf32, #tpu.memory_space<vmem>>, vector<16xf32>,
      %get3A_271 = arith.constant 320 : index
      %get3A_272 = tpu.vector_load %arg8[%get3A_271] {strides = array<i32>} : memref<4608xf32, #tpu.memory_space<vmem>>, vector<16xf32>,
      %get3A_273 = arith.constant 448 : index
      %get3A_274 = tpu.vector_load %arg8[%get3A_273] {strides = array<i32>} : memref<4608xf32, #tpu.memory_space<vmem>>, vector<16xf32>,
      %add3A_275 = arith.addf %add3A_231, %get3A_254 : vector<16xf32>
      %add3A_276 = arith.addf %add3A_232, %get3A_262 : vector<16xf32>
      %mul3A_277 = arith.mulf %get3A_262, %get3A_268 : vector<16xf32>
      %add3A_278 = arith.addf %add3A_234, %mul3A_277 : vector<16xf32>
      %mul3A_279 = arith.mulf %get3A_262, %get3A_270 : vector<16xf32>
      %add3A_280 = arith.addf %add3A_236, %mul3A_279 : vector<16xf32>
      %mul3A_281 = arith.mulf %get3A_254, %get3A_272 : vector<16xf32>
      %add3A_282 = arith.addf %add3A_238, %mul3A_281 : vector<16xf32>
      %mul3A_283 = arith.mulf %get3A_254, %get3A_274 : vector<16xf32>
      %add3A_284 = arith.addf %add3A_240, %mul3A_283 : vector<16xf32>
      %add3A_285 = arith.addf %add3A_241, %get3A_258 : vector<16xf32>
      %add3A_286 = arith.addf %add3A_242, %get3A_266 : vector<16xf32>
      %mul3A_287 = arith.mulf %get3A_266, %get3A_268 : vector<16xf32>
      %add3A_288 = arith.addf %add3A_244, %mul3A_287 : vector<16xf32>
      %mul3A_289 = arith.mulf %get3A_266, %get3A_270 : vector<16xf32>
      %add3A_290 = arith.addf %add3A_246, %mul3A_289 : vector<16xf32>
      %mul3A_291 = arith.mulf %get3A_258, %get3A_272 : vector<16xf32>
      %add3A_292 = arith.addf %add3A_248, %mul3A_291 : vector<16xf32>
      %mul3A_293 = arith.mulf %get3A_258, %get3A_274 : vector<16xf32>
      %add3A_294 = arith.addf %add3A_250, %mul3A_293 : vector<16xf32>
      %add3A_295 = arith.constant 80 : i32
      %add3A_296 = arith.addi %mul3A_46, %add3A_295 : i32
      %get3A_297 = arith.index_cast %add3A_296 : i32 to index
      %get3A_298 = tpu.vector_load %arg6[%get3A_297] {strides = array<i32>} : memref<4096xf32, #tpu.memory_space<vmem>>, vector<16xf32>,
      %add3A_299 = arith.constant 80 : i32
      %add3A_300 = arith.addi %mul3A_52, %add3A_299 : i32
      %get3A_301 = arith.index_cast %add3A_300 : i32 to index
      %get3A_302 = tpu.vector_load %arg6[%get3A_301] {strides = array<i32>} : memref<4096xf32, #tpu.memory_space<vmem>>, vector<16xf32>,
      %add3A_303 = arith.constant 80 : i32
      %add3A_304 = arith.addi %mul3A_46, %add3A_303 : i32
      %get3A_305 = arith.index_cast %add3A_304 : i32 to index
      %get3A_306 = tpu.vector_load %arg7[%get3A_305] {strides = array<i32>} : memref<4096xf32, #tpu.memory_space<vmem>>, vector<16xf32>,
      %add3A_307 = arith.constant 80 : i32
      %add3A_308 = arith.addi %mul3A_52, %add3A_307 : i32
      %get3A_309 = arith.index_cast %add3A_308 : i32 to index
      %get3A_310 = tpu.vector_load %arg7[%get3A_309] {strides = array<i32>} : memref<4096xf32, #tpu.memory_space<vmem>>, vector<16xf32>,
      %get3A_311 = arith.constant 80 : index
      %get3A_312 = tpu.vector_load %arg8[%get3A_311] {strides = array<i32>} : memref<4608xf32, #tpu.memory_space<vmem>>, vector<16xf32>,
      %get3A_313 = arith.constant 208 : index
      %get3A_314 = tpu.vector_load %arg8[%get3A_313] {strides = array<i32>} : memref<4608xf32, #tpu.memory_space<vmem>>, vector<16xf32>,
      %get3A_315 = arith.constant 336 : index
      %get3A_316 = tpu.vector_load %arg8[%get3A_315] {strides = array<i32>} : memref<4608xf32, #tpu.memory_space<vmem>>, vector<16xf32>,
      %get3A_317 = arith.constant 464 : index
      %get3A_318 = tpu.vector_load %arg8[%get3A_317] {strides = array<i32>} : memref<4608xf32, #tpu.memory_space<vmem>>, vector<16xf32>,
      %add3A_319 = arith.addf %add3A_275, %get3A_298 : vector<16xf32>
      %add3A_320 = arith.addf %add3A_276, %get3A_306 : vector<16xf32>
      %mul3A_321 = arith.mulf %get3A_306, %get3A_312 : vector<16xf32>
      %add3A_322 = arith.addf %add3A_278, %mul3A_321 : vector<16xf32>
      %mul3A_323 = arith.mulf %get3A_306, %get3A_314 : vector<16xf32>
      %add3A_324 = arith.addf %add3A_280, %mul3A_323 : vector<16xf32>
      %mul3A_325 = arith.mulf %get3A_298, %get3A_316 : vector<16xf32>
      %add3A_326 = arith.addf %add3A_282, %mul3A_325 : vector<16xf32>
      %mul3A_327 = arith.mulf %get3A_298, %get3A_318 : vector<16xf32>
      %add3A_328 = arith.addf %add3A_284, %mul3A_327 : vector<16xf32>
      %add3A_329 = arith.addf %add3A_285, %get3A_302 : vector<16xf32>
      %add3A_330 = arith.addf %add3A_286, %get3A_310 : vector<16xf32>
      %mul3A_331 = arith.mulf %get3A_310, %get3A_312 : vector<16xf32>
      %add3A_332 = arith.addf %add3A_288, %mul3A_331 : vector<16xf32>
      %mul3A_333 = arith.mulf %get3A_310, %get3A_314 : vector<16xf32>
      %add3A_334 = arith.addf %add3A_290, %mul3A_333 : vector<16xf32>
      %mul3A_335 = arith.mulf %get3A_302, %get3A_316 : vector<16xf32>
      %add3A_336 = arith.addf %add3A_292, %mul3A_335 : vector<16xf32>
      %mul3A_337 = arith.mulf %get3A_302, %get3A_318 : vector<16xf32>
      %add3A_338 = arith.addf %add3A_294, %mul3A_337 : vector<16xf32>
      %add3A_339 = arith.constant 96 : i32
      %add3A_340 = arith.addi %mul3A_46, %add3A_339 : i32
      %get3A_341 = arith.index_cast %add3A_340 : i32 to index
      %get3A_342 = tpu.vector_load %arg6[%get3A_341] {strides = array<i32>} : memref<4096xf32, #tpu.memory_space<vmem>>, vector<16xf32>,
      %add3A_343 = arith.constant 96 : i32
      %add3A_344 = arith.addi %mul3A_52, %add3A_343 : i32
      %get3A_345 = arith.index_cast %add3A_344 : i32 to index
      %get3A_346 = tpu.vector_load %arg6[%get3A_345] {strides = array<i32>} : memref<4096xf32, #tpu.memory_space<vmem>>, vector<16xf32>,
      %add3A_347 = arith.constant 96 : i32
      %add3A_348 = arith.addi %mul3A_46, %add3A_347 : i32
      %get3A_349 = arith.index_cast %add3A_348 : i32 to index
      %get3A_350 = tpu.vector_load %arg7[%get3A_349] {strides = array<i32>} : memref<4096xf32, #tpu.memory_space<vmem>>, vector<16xf32>,
      %add3A_351 = arith.constant 96 : i32
      %add3A_352 = arith.addi %mul3A_52, %add3A_351 : i32
      %get3A_353 = arith.index_cast %add3A_352 : i32 to index
      %get3A_354 = tpu.vector_load %arg7[%get3A_353] {strides = array<i32>} : memref<4096xf32, #tpu.memory_space<vmem>>, vector<16xf32>,
      %get3A_355 = arith.constant 96 : index
      %get3A_356 = tpu.vector_load %arg8[%get3A_355] {strides = array<i32>} : memref<4608xf32, #tpu.memory_space<vmem>>, vector<16xf32>,
      %get3A_357 = arith.constant 224 : index
      %get3A_358 = tpu.vector_load %arg8[%get3A_357] {strides = array<i32>} : memref<4608xf32, #tpu.memory_space<vmem>>, vector<16xf32>,
      %get3A_359 = arith.constant 352 : index
      %get3A_360 = tpu.vector_load %arg8[%get3A_359] {strides = array<i32>} : memref<4608xf32, #tpu.memory_space<vmem>>, vector<16xf32>,
      %get3A_361 = arith.constant 480 : index
      %get3A_362 = tpu.vector_load %arg8[%get3A_361] {strides = array<i32>} : memref<4608xf32, #tpu.memory_space<vmem>>, vector<16xf32>,
      %add3A_363 = arith.addf %add3A_319, %get3A_342 : vector<16xf32>
      %add3A_364 = arith.addf %add3A_320, %get3A_350 : vector<16xf32>
      %mul3A_365 = arith.mulf %get3A_350, %get3A_356 : vector<16xf32>
      %add3A_366 = arith.addf %add3A_322, %mul3A_365 : vector<16xf32>
      %mul3A_367 = arith.mulf %get3A_350, %get3A_358 : vector<16xf32>
      %add3A_368 = arith.addf %add3A_324, %mul3A_367 : vector<16xf32>
      %mul3A_369 = arith.mulf %get3A_342, %get3A_360 : vector<16xf32>
      %add3A_370 = arith.addf %add3A_326, %mul3A_369 : vector<16xf32>
      %mul3A_371 = arith.mulf %get3A_342, %get3A_362 : vector<16xf32>
      %add3A_372 = arith.addf %add3A_328, %mul3A_371 : vector<16xf32>
      %add3A_373 = arith.addf %add3A_329, %get3A_346 : vector<16xf32>
      %add3A_374 = arith.addf %add3A_330, %get3A_354 : vector<16xf32>
      %mul3A_375 = arith.mulf %get3A_354, %get3A_356 : vector<16xf32>
      %add3A_376 = arith.addf %add3A_332, %mul3A_375 : vector<16xf32>
      %mul3A_377 = arith.mulf %get3A_354, %get3A_358 : vector<16xf32>
      %add3A_378 = arith.addf %add3A_334, %mul3A_377 : vector<16xf32>
      %mul3A_379 = arith.mulf %get3A_346, %get3A_360 : vector<16xf32>
      %add3A_380 = arith.addf %add3A_336, %mul3A_379 : vector<16xf32>
      %mul3A_381 = arith.mulf %get3A_346, %get3A_362 : vector<16xf32>
      %add3A_382 = arith.addf %add3A_338, %mul3A_381 : vector<16xf32>
      %add3A_383 = arith.constant 112 : i32
      %add3A_384 = arith.addi %mul3A_46, %add3A_383 : i32
      %get3A_385 = arith.index_cast %add3A_384 : i32 to index
      %get3A_386 = tpu.vector_load %arg6[%get3A_385] {strides = array<i32>} : memref<4096xf32, #tpu.memory_space<vmem>>, vector<16xf32>,
      %add3A_387 = arith.constant 112 : i32
      %add3A_388 = arith.addi %mul3A_52, %add3A_387 : i32
      %get3A_389 = arith.index_cast %add3A_388 : i32 to index
      %get3A_390 = tpu.vector_load %arg6[%get3A_389] {strides = array<i32>} : memref<4096xf32, #tpu.memory_space<vmem>>, vector<16xf32>,
      %add3A_391 = arith.constant 112 : i32
      %add3A_392 = arith.addi %mul3A_46, %add3A_391 : i32
      %get3A_393 = arith.index_cast %add3A_392 : i32 to index
      %get3A_394 = tpu.vector_load %arg7[%get3A_393] {strides = array<i32>} : memref<4096xf32, #tpu.memory_space<vmem>>, vector<16xf32>,
      %add3A_395 = arith.constant 112 : i32
      %add3A_396 = arith.addi %mul3A_52, %add3A_395 : i32
      %get3A_397 = arith.index_cast %add3A_396 : i32 to index
      %get3A_398 = tpu.vector_load %arg7[%get3A_397] {strides = array<i32>} : memref<4096xf32, #tpu.memory_space<vmem>>, vector<16xf32>,
      %get3A_399 = arith.constant 112 : index
      %get3A_400 = tpu.vector_load %arg8[%get3A_399] {strides = array<i32>} : memref<4608xf32, #tpu.memory_space<vmem>>, vector<16xf32>,
      %get3A_401 = arith.constant 240 : index
      %get3A_402 = tpu.vector_load %arg8[%get3A_401] {strides = array<i32>} : memref<4608xf32, #tpu.memory_space<vmem>>, vector<16xf32>,
      %get3A_403 = arith.constant 368 : index
      %get3A_404 = tpu.vector_load %arg8[%get3A_403] {strides = array<i32>} : memref<4608xf32, #tpu.memory_space<vmem>>, vector<16xf32>,
      %get3A_405 = arith.constant 496 : index
      %get3A_406 = tpu.vector_load %arg8[%get3A_405] {strides = array<i32>} : memref<4608xf32, #tpu.memory_space<vmem>>, vector<16xf32>,
      %add3A_407 = arith.addf %add3A_363, %get3A_386 : vector<16xf32>
      %add3A_408 = arith.addf %add3A_364, %get3A_394 : vector<16xf32>
      %mul3A_409 = arith.mulf %get3A_394, %get3A_400 : vector<16xf32>
      %add3A_410 = arith.addf %add3A_366, %mul3A_409 : vector<16xf32>
      %mul3A_411 = arith.mulf %get3A_394, %get3A_402 : vector<16xf32>
      %add3A_412 = arith.addf %add3A_368, %mul3A_411 : vector<16xf32>
      %mul3A_413 = arith.mulf %get3A_386, %get3A_404 : vector<16xf32>
      %add3A_414 = arith.addf %add3A_370, %mul3A_413 : vector<16xf32>
      %mul3A_415 = arith.mulf %get3A_386, %get3A_406 : vector<16xf32>
      %add3A_416 = arith.addf %add3A_372, %mul3A_415 : vector<16xf32>
      %add3A_417 = arith.addf %add3A_373, %get3A_390 : vector<16xf32>
      %add3A_418 = arith.addf %add3A_374, %get3A_398 : vector<16xf32>
      %mul3A_419 = arith.mulf %get3A_398, %get3A_400 : vector<16xf32>
      %add3A_420 = arith.addf %add3A_376, %mul3A_419 : vector<16xf32>
      %mul3A_421 = arith.mulf %get3A_398, %get3A_402 : vector<16xf32>
      %add3A_422 = arith.addf %add3A_378, %mul3A_421 : vector<16xf32>
      %mul3A_423 = arith.mulf %get3A_390, %get3A_404 : vector<16xf32>
      %add3A_424 = arith.addf %add3A_380, %mul3A_423 : vector<16xf32>
      %mul3A_425 = arith.mulf %get3A_390, %get3A_406 : vector<16xf32>
      %add3A_426 = arith.addf %add3A_382, %mul3A_425 : vector<16xf32>
      %swap3A = arith.constant 16 : index
      %swap3A_427 = tpu.vector_load %arg10[%swap3A] {strides = array<i32>} : memref<512xf32, #tpu.memory_space<vmem>>, vector<16xf32>,
      tpu.vector_store %arg10[%swap3A], %add3A_407 {strides = array<i32>} : memref<512xf32, #tpu.memory_space<vmem>>, vector<16xf32>,
      %swap3A_428 = arith.constant 144 : index
      %swap3A_429 = tpu.vector_load %arg10[%swap3A_428] {strides = array<i32>} : memref<512xf32, #tpu.memory_space<vmem>>, vector<16xf32>,
      tpu.vector_store %arg10[%swap3A_428], %add3A_417 {strides = array<i32>} : memref<512xf32, #tpu.memory_space<vmem>>, vector<16xf32>,
      %swap3A_430 = arith.constant 32 : index
      %swap3A_431 = tpu.vector_load %arg10[%swap3A_430] {strides = array<i32>} : memref<512xf32, #tpu.memory_space<vmem>>, vector<16xf32>,
      tpu.vector_store %arg10[%swap3A_430], %add3A_408 {strides = array<i32>} : memref<512xf32, #tpu.memory_space<vmem>>, vector<16xf32>,
      %swap3A_432 = arith.constant 160 : index
      %swap3A_433 = tpu.vector_load %arg10[%swap3A_432] {strides = array<i32>} : memref<512xf32, #tpu.memory_space<vmem>>, vector<16xf32>,
      tpu.vector_store %arg10[%swap3A_432], %add3A_418 {strides = array<i32>} : memref<512xf32, #tpu.memory_space<vmem>>, vector<16xf32>,
      %swap3A_434 = arith.constant 48 : index
      %swap3A_435 = tpu.vector_load %arg10[%swap3A_434] {strides = array<i32>} : memref<512xf32, #tpu.memory_space<vmem>>, vector<16xf32>,
      tpu.vector_store %arg10[%swap3A_434], %add3A_410 {strides = array<i32>} : memref<512xf32, #tpu.memory_space<vmem>>, vector<16xf32>,
      %swap3A_436 = arith.constant 176 : index
      %swap3A_437 = tpu.vector_load %arg10[%swap3A_436] {strides = array<i32>} : memref<512xf32, #tpu.memory_space<vmem>>, vector<16xf32>,
      tpu.vector_store %arg10[%swap3A_436], %add3A_420 {strides = array<i32>} : memref<512xf32, #tpu.memory_space<vmem>>, vector<16xf32>,
      %swap3A_438 = arith.constant 64 : index
      %swap3A_439 = tpu.vector_load %arg10[%swap3A_438] {strides = array<i32>} : memref<512xf32, #tpu.memory_space<vmem>>, vector<16xf32>,
      tpu.vector_store %arg10[%swap3A_438], %add3A_412 {strides = array<i32>} : memref<512xf32, #tpu.memory_space<vmem>>, vector<16xf32>,
      %swap3A_440 = arith.constant 192 : index
      %swap3A_441 = tpu.vector_load %arg10[%swap3A_440] {strides = array<i32>} : memref<512xf32, #tpu.memory_space<vmem>>, vector<16xf32>,
      tpu.vector_store %arg10[%swap3A_440], %add3A_422 {strides = array<i32>} : memref<512xf32, #tpu.memory_space<vmem>>, vector<16xf32>,
      %swap3A_442 = arith.constant 80 : index
      %swap3A_443 = tpu.vector_load %arg10[%swap3A_442] {strides = array<i32>} : memref<512xf32, #tpu.memory_space<vmem>>, vector<16xf32>,
      tpu.vector_store %arg10[%swap3A_442], %add3A_414 {strides = array<i32>} : memref<512xf32, #tpu.memory_space<vmem>>, vector<16xf32>,
      %swap3A_444 = arith.constant 208 : index
      %swap3A_445 = tpu.vector_load %arg10[%swap3A_444] {strides = array<i32>} : memref<512xf32, #tpu.memory_space<vmem>>, vector<16xf32>,
      tpu.vector_store %arg10[%swap3A_444], %add3A_424 {strides = array<i32>} : memref<512xf32, #tpu.memory_space<vmem>>, vector<16xf32>,
      %swap3A_446 = arith.constant 96 : index
      %swap3A_447 = tpu.vector_load %arg10[%swap3A_446] {strides = array<i32>} : memref<512xf32, #tpu.memory_space<vmem>>, vector<16xf32>,
      tpu.vector_store %arg10[%swap3A_446], %add3A_416 {strides = array<i32>} : memref<512xf32, #tpu.memory_space<vmem>>, vector<16xf32>,
      %swap3A_448 = arith.constant 224 : index
      %swap3A_449 = tpu.vector_load %arg10[%swap3A_448] {strides = array<i32>} : memref<512xf32, #tpu.memory_space<vmem>>, vector<16xf32>,
      tpu.vector_store %arg10[%swap3A_448], %add3A_426 {strides = array<i32>} : memref<512xf32, #tpu.memory_space<vmem>>, vector<16xf32>,
      %add3A_450 = arith.constant 0 : i32
      %add3A_451 = vector.broadcast %add3A_450 : i32 to vector<16xi32>
      %add3A_452 = arith.addi %mul3A_11, %add3A_451 : vector<16xi32>
      %add3A_453 = arith.constant 0 : i32
      %add3A_454 = vector.broadcast %add3A_453 : i32 to vector<16xi32>
      %add3A_455 = arith.addi %add3A_452, %add3A_454 : vector<16xi32>
      %gather3A_456 = tpu.vector_load_idx %arg10[%add3A_455] : memref<512xf32, #tpu.memory_space<vmem>>[vector<16xi32>], vector<16xf32>,
      %add3A_457 = arith.constant 0 : i32
      %add3A_458 = vector.broadcast %add3A_457 : i32 to vector<16xi32>
      %add3A_459 = arith.addi %mul3A_11, %add3A_458 : vector<16xi32>
      %add3A_460 = arith.constant 1 : i32
      %add3A_461 = vector.broadcast %add3A_460 : i32 to vector<16xi32>
      %add3A_462 = arith.addi %add3A_459, %add3A_461 : vector<16xi32>
      %gather3A_463 = tpu.vector_load_idx %arg10[%add3A_462] : memref<512xf32, #tpu.memory_space<vmem>>[vector<16xi32>], vector<16xf32>,
      %add3A_464 = arith.constant 0 : i32
      %add3A_465 = vector.broadcast %add3A_464 : i32 to vector<16xi32>
      %add3A_466 = arith.addi %mul3A_11, %add3A_465 : vector<16xi32>
      %add3A_467 = arith.constant 2 : i32
      %add3A_468 = vector.broadcast %add3A_467 : i32 to vector<16xi32>
      %add3A_469 = arith.addi %add3A_466, %add3A_468 : vector<16xi32>
      %gather3A_470 = tpu.vector_load_idx %arg10[%add3A_469] : memref<512xf32, #tpu.memory_space<vmem>>[vector<16xi32>], vector<16xf32>,
      %add3A_471 = arith.constant 0 : i32
      %add3A_472 = vector.broadcast %add3A_471 : i32 to vector<16xi32>
      %add3A_473 = arith.addi %mul3A_11, %add3A_472 : vector<16xi32>
      %add3A_474 = arith.constant 3 : i32
      %add3A_475 = vector.broadcast %add3A_474 : i32 to vector<16xi32>
      %add3A_476 = arith.addi %add3A_473, %add3A_475 : vector<16xi32>
      %gather3A_477 = tpu.vector_load_idx %arg10[%add3A_476] : memref<512xf32, #tpu.memory_space<vmem>>[vector<16xi32>], vector<16xf32>,
      %add3A_478 = arith.constant 0 : i32
      %add3A_479 = vector.broadcast %add3A_478 : i32 to vector<16xi32>
      %add3A_480 = arith.addi %mul3A_11, %add3A_479 : vector<16xi32>
      %add3A_481 = arith.constant 4 : i32
      %add3A_482 = vector.broadcast %add3A_481 : i32 to vector<16xi32>
      %add3A_483 = arith.addi %add3A_480, %add3A_482 : vector<16xi32>
      %gather3A_484 = tpu.vector_load_idx %arg10[%add3A_483] : memref<512xf32, #tpu.memory_space<vmem>>[vector<16xi32>], vector<16xf32>,
      %add3A_485 = arith.constant 0 : i32
      %add3A_486 = vector.broadcast %add3A_485 : i32 to vector<16xi32>
      %add3A_487 = arith.addi %mul3A_11, %add3A_486 : vector<16xi32>
      %add3A_488 = arith.constant 5 : i32
      %add3A_489 = vector.broadcast %add3A_488 : i32 to vector<16xi32>
      %add3A_490 = arith.addi %add3A_487, %add3A_489 : vector<16xi32>
      %gather3A_491 = tpu.vector_load_idx %arg10[%add3A_490] : memref<512xf32, #tpu.memory_space<vmem>>[vector<16xi32>], vector<16xf32>,
      %add3A_492 = arith.constant 0 : i32
      %add3A_493 = vector.broadcast %add3A_492 : i32 to vector<16xi32>
      %add3A_494 = arith.addi %mul3A_11, %add3A_493 : vector<16xi32>
      %add3A_495 = arith.constant 6 : i32
      %add3A_496 = vector.broadcast %add3A_495 : i32 to vector<16xi32>
      %add3A_497 = arith.addi %add3A_494, %add3A_496 : vector<16xi32>
      %gather3A_498 = tpu.vector_load_idx %arg10[%add3A_497] : memref<512xf32, #tpu.memory_space<vmem>>[vector<16xi32>], vector<16xf32>,
      %add3A_499 = arith.constant 0 : i32
      %add3A_500 = vector.broadcast %add3A_499 : i32 to vector<16xi32>
      %add3A_501 = arith.addi %mul3A_11, %add3A_500 : vector<16xi32>
      %add3A_502 = arith.constant 7 : i32
      %add3A_503 = vector.broadcast %add3A_502 : i32 to vector<16xi32>
      %add3A_504 = arith.addi %add3A_501, %add3A_503 : vector<16xi32>
      %gather3A_505 = tpu.vector_load_idx %arg10[%add3A_504] : memref<512xf32, #tpu.memory_space<vmem>>[vector<16xi32>], vector<16xf32>,
      %add3A_506 = arith.constant 0 : i32
      %add3A_507 = vector.broadcast %add3A_506 : i32 to vector<16xi32>
      %add3A_508 = arith.addi %mul3A_11, %add3A_507 : vector<16xi32>
      %add3A_509 = arith.constant 8 : i32
      %add3A_510 = vector.broadcast %add3A_509 : i32 to vector<16xi32>
      %add3A_511 = arith.addi %add3A_508, %add3A_510 : vector<16xi32>
      %gather3A_512 = tpu.vector_load_idx %arg10[%add3A_511] : memref<512xf32, #tpu.memory_space<vmem>>[vector<16xi32>], vector<16xf32>,
      %add3A_513 = arith.constant 0 : i32
      %add3A_514 = vector.broadcast %add3A_513 : i32 to vector<16xi32>
      %add3A_515 = arith.addi %mul3A_11, %add3A_514 : vector<16xi32>
      %add3A_516 = arith.constant 9 : i32
      %add3A_517 = vector.broadcast %add3A_516 : i32 to vector<16xi32>
      %add3A_518 = arith.addi %add3A_515, %add3A_517 : vector<16xi32>
      %gather3A_519 = tpu.vector_load_idx %arg10[%add3A_518] : memref<512xf32, #tpu.memory_space<vmem>>[vector<16xi32>], vector<16xf32>,
      %add3A_520 = arith.constant 0 : i32
      %add3A_521 = vector.broadcast %add3A_520 : i32 to vector<16xi32>
      %add3A_522 = arith.addi %mul3A_11, %add3A_521 : vector<16xi32>
      %add3A_523 = arith.constant 10 : i32
      %add3A_524 = vector.broadcast %add3A_523 : i32 to vector<16xi32>
      %add3A_525 = arith.addi %add3A_522, %add3A_524 : vector<16xi32>
      %gather3A_526 = tpu.vector_load_idx %arg10[%add3A_525] : memref<512xf32, #tpu.memory_space<vmem>>[vector<16xi32>], vector<16xf32>,
      %add3A_527 = arith.constant 0 : i32
      %add3A_528 = vector.broadcast %add3A_527 : i32 to vector<16xi32>
      %add3A_529 = arith.addi %mul3A_11, %add3A_528 : vector<16xi32>
      %add3A_530 = arith.constant 11 : i32
      %add3A_531 = vector.broadcast %add3A_530 : i32 to vector<16xi32>
      %add3A_532 = arith.addi %add3A_529, %add3A_531 : vector<16xi32>
      %gather3A_533 = tpu.vector_load_idx %arg10[%add3A_532] : memref<512xf32, #tpu.memory_space<vmem>>[vector<16xi32>], vector<16xf32>,
      %add3A_534 = arith.constant 0 : i32
      %add3A_535 = vector.broadcast %add3A_534 : i32 to vector<16xi32>
      %add3A_536 = arith.addi %mul3A_11, %add3A_535 : vector<16xi32>
      %add3A_537 = arith.constant 12 : i32
      %add3A_538 = vector.broadcast %add3A_537 : i32 to vector<16xi32>
      %add3A_539 = arith.addi %add3A_536, %add3A_538 : vector<16xi32>
      %gather3A_540 = tpu.vector_load_idx %arg10[%add3A_539] : memref<512xf32, #tpu.memory_space<vmem>>[vector<16xi32>], vector<16xf32>,
      %add3A_541 = arith.constant 0 : i32
      %add3A_542 = vector.broadcast %add3A_541 : i32 to vector<16xi32>
      %add3A_543 = arith.addi %mul3A_11, %add3A_542 : vector<16xi32>
      %add3A_544 = arith.constant 13 : i32
      %add3A_545 = vector.broadcast %add3A_544 : i32 to vector<16xi32>
      %add3A_546 = arith.addi %add3A_543, %add3A_545 : vector<16xi32>
      %gather3A_547 = tpu.vector_load_idx %arg10[%add3A_546] : memref<512xf32, #tpu.memory_space<vmem>>[vector<16xi32>], vector<16xf32>,
      %add3A_548 = arith.constant 0 : i32
      %add3A_549 = vector.broadcast %add3A_548 : i32 to vector<16xi32>
      %add3A_550 = arith.addi %mul3A_11, %add3A_549 : vector<16xi32>
      %add3A_551 = arith.constant 14 : i32
      %add3A_552 = vector.broadcast %add3A_551 : i32 to vector<16xi32>
      %add3A_553 = arith.addi %add3A_550, %add3A_552 : vector<16xi32>
      %gather3A_554 = tpu.vector_load_idx %arg10[%add3A_553] : memref<512xf32, #tpu.memory_space<vmem>>[vector<16xi32>], vector<16xf32>,
      %add3A_555 = arith.constant 0 : i32
      %add3A_556 = vector.broadcast %add3A_555 : i32 to vector<16xi32>
      %add3A_557 = arith.addi %mul3A_11, %add3A_556 : vector<16xi32>
      %add3A_558 = arith.constant 15 : i32
      %add3A_559 = vector.broadcast %add3A_558 : i32 to vector<16xi32>
      %add3A_560 = arith.addi %add3A_557, %add3A_559 : vector<16xi32>
      %gather3A_561 = tpu.vector_load_idx %arg10[%add3A_560] : memref<512xf32, #tpu.memory_space<vmem>>[vector<16xi32>], vector<16xf32>,
      %add3A_562 = arith.addf %gather3A_456, %gather3A_463 : vector<16xf32>
      %add3A_563 = arith.addf %gather3A_470, %gather3A_477 : vector<16xf32>
      %add3A_564 = arith.addf %gather3A_484, %gather3A_491 : vector<16xf32>
      %add3A_565 = arith.addf %gather3A_498, %gather3A_505 : vector<16xf32>
      %add3A_566 = arith.addf %gather3A_512, %gather3A_519 : vector<16xf32>
      %add3A_567 = arith.addf %gather3A_526, %gather3A_533 : vector<16xf32>
      %add3A_568 = arith.addf %gather3A_540, %gather3A_547 : vector<16xf32>
      %add3A_569 = arith.addf %gather3A_554, %gather3A_561 : vector<16xf32>
      %add3A_570 = arith.addf %add3A_562, %add3A_563 : vector<16xf32>
      %add3A_571 = arith.addf %add3A_564, %add3A_565 : vector<16xf32>
      %add3A_572 = arith.addf %add3A_566, %add3A_567 : vector<16xf32>
      %add3A_573 = arith.addf %add3A_568, %add3A_569 : vector<16xf32>
      %add3A_574 = arith.addf %add3A_570, %add3A_571 : vector<16xf32>
      %add3A_575 = arith.addf %add3A_572, %add3A_573 : vector<16xf32>
      %add3A_576 = arith.addf %add3A_574, %add3A_575 : vector<16xf32>
      %swap3A_577 = arith.constant 0 : index
      %swap3A_578 = tpu.vector_load %arg11[%swap3A_577] {strides = array<i32>} : memref<32xf32, #tpu.memory_space<vmem>>, vector<16xf32>,
      tpu.vector_store %arg11[%swap3A_577], %add3A_576 {strides = array<i32>} : memref<32xf32, #tpu.memory_space<vmem>>, vector<16xf32>,
      %broadcast_in_dim3A_579 = arith.constant 1 : i32
      %broadcast_in_dim3A_580 = vector.broadcast %broadcast_in_dim3A_579 : i32 to vector<16xi32>
      %gather3A_581 = tpu.vector_load_idx %arg11[%broadcast_in_dim3A_580] : memref<32xf32, #tpu.memory_space<vmem>>[vector<16xi32>], vector<16xf32>,
      %broadcast_in_dim3A_582 = arith.constant 2 : i32
      %broadcast_in_dim3A_583 = vector.broadcast %broadcast_in_dim3A_582 : i32 to vector<16xi32>
      %gather3A_584 = tpu.vector_load_idx %arg11[%broadcast_in_dim3A_583] : memref<32xf32, #tpu.memory_space<vmem>>[vector<16xi32>], vector<16xf32>,
      %broadcast_in_dim3A_585 = arith.constant 3 : i32
      %broadcast_in_dim3A_586 = vector.broadcast %broadcast_in_dim3A_585 : i32 to vector<16xi32>
      %gather3A_587 = tpu.vector_load_idx %arg11[%broadcast_in_dim3A_586] : memref<32xf32, #tpu.memory_space<vmem>>[vector<16xi32>], vector<16xf32>,
      %broadcast_in_dim3A_588 = arith.constant 4 : i32
      %broadcast_in_dim3A_589 = vector.broadcast %broadcast_in_dim3A_588 : i32 to vector<16xi32>
      %gather3A_590 = tpu.vector_load_idx %arg11[%broadcast_in_dim3A_589] : memref<32xf32, #tpu.memory_space<vmem>>[vector<16xi32>], vector<16xf32>,
      %broadcast_in_dim3A_591 = arith.constant 5 : i32
      %broadcast_in_dim3A_592 = vector.broadcast %broadcast_in_dim3A_591 : i32 to vector<16xi32>
      %gather3A_593 = tpu.vector_load_idx %arg11[%broadcast_in_dim3A_592] : memref<32xf32, #tpu.memory_space<vmem>>[vector<16xi32>], vector<16xf32>,
      %broadcast_in_dim3A_594 = arith.constant 6 : i32
      %broadcast_in_dim3A_595 = vector.broadcast %broadcast_in_dim3A_594 : i32 to vector<16xi32>
      %gather3A_596 = tpu.vector_load_idx %arg11[%broadcast_in_dim3A_595] : memref<32xf32, #tpu.memory_space<vmem>>[vector<16xi32>], vector<16xf32>,
      %mul3A_597 = arith.mulf %gather3A_581, %gather3A_587 : vector<16xf32>
      %mul3A_598 = arith.mulf %gather3A_581, %gather3A_590 : vector<16xf32>
      %mul3A_599 = arith.mulf %gather3A_584, %gather3A_593 : vector<16xf32>
      %mul3A_600 = arith.mulf %gather3A_584, %gather3A_596 : vector<16xf32>
      %mul3A_601 = arith.mulf %mul3A_597, %gather3A : vector<16xf32>
      %mul3A_602 = arith.mulf %mul3A_598, %gather3A_27 : vector<16xf32>
      %add3A_603 = arith.addf %mul3A_601, %mul3A_602 : vector<16xf32>
      %mul3A_604 = arith.mulf %mul3A_599, %gather3A_23 : vector<16xf32>
      %add3A_605 = arith.addf %add3A_603, %mul3A_604 : vector<16xf32>
      %mul3A_606 = arith.mulf %mul3A_600, %gather3A_34 : vector<16xf32>
      %add3A_607 = arith.addf %add3A_605, %mul3A_606 : vector<16xf32>
      %mul3A_608 = arith.mulf %mul3A_598, %gather3A : vector<16xf32>
      %mul3A_609 = arith.mulf %mul3A_597, %gather3A_27 : vector<16xf32>
      %sub3A = arith.subf %mul3A_608, %mul3A_609 : vector<16xf32>
      %mul3A_610 = arith.mulf %mul3A_600, %gather3A_23 : vector<16xf32>
      %add3A_611 = arith.addf %sub3A, %mul3A_610 : vector<16xf32>
      %mul3A_612 = arith.mulf %mul3A_599, %gather3A_34 : vector<16xf32>
      %sub3A_613 = arith.subf %add3A_611, %mul3A_612 : vector<16xf32>
      %mul3A_614 = arith.mulf %add3A_607, %add3A_607 : vector<16xf32>
      %mul3A_615 = arith.mulf %sub3A_613, %sub3A_613 : vector<16xf32>
      %add3A_616 = arith.addf %mul3A_614, %mul3A_615 : vector<16xf32>
      %lt3A = arith.constant 8 : i32
      %lt3A_617 = vector.broadcast %lt3A : i32 to vector<16xi32>
      %lt3A_618 = arith.cmpi slt, %iota3A, %lt3A_617 : vector<16xi32>
      %jit3A = arith.constant -1.000000e+00 : f32
      %broadcast_in_dim3A_619 = vector.broadcast %jit3A : f32 to vector<16xf32>
      %select_n3A = arith.select %lt3A_618, %add3A_616, %broadcast_in_dim3A_619 : vector<16xi1>, vector<16xf32>
      %masked_sort3A = arith.constant dense<true> : vector<16xi1>
      %masked_sort3A_620, %masked_sort3A_621, %masked_sort3A_622 = tpu.sort %select_n3A, %iota3A masked %masked_sort3A {descending = true} : (vector<16xf32>, vector<16xi32>, vector<16xi1>) -> (vector<16xi1>, vector<16xf32>, vector<16xi32>)
      %broadcast_in_dim3A_623 = arith.constant 9 : i32
      %broadcast_in_dim3A_624 = vector.broadcast %broadcast_in_dim3A_623 : i32 to vector<16xi32>
      %gather3A_625 = tpu.vector_load_idx %arg11[%broadcast_in_dim3A_624] : memref<32xf32, #tpu.memory_space<vmem>>[vector<16xi32>], vector<16xf32>,
      %broadcast_in_dim3A_626 = arith.constant 10 : i32
      %broadcast_in_dim3A_627 = vector.broadcast %broadcast_in_dim3A_626 : i32 to vector<16xi32>
      %gather3A_628 = tpu.vector_load_idx %arg11[%broadcast_in_dim3A_627] : memref<32xf32, #tpu.memory_space<vmem>>[vector<16xi32>], vector<16xf32>,
      %broadcast_in_dim3A_629 = arith.constant 11 : i32
      %broadcast_in_dim3A_630 = vector.broadcast %broadcast_in_dim3A_629 : i32 to vector<16xi32>
      %gather3A_631 = tpu.vector_load_idx %arg11[%broadcast_in_dim3A_630] : memref<32xf32, #tpu.memory_space<vmem>>[vector<16xi32>], vector<16xf32>,
      %broadcast_in_dim3A_632 = arith.constant 12 : i32
      %broadcast_in_dim3A_633 = vector.broadcast %broadcast_in_dim3A_632 : i32 to vector<16xi32>
      %gather3A_634 = tpu.vector_load_idx %arg11[%broadcast_in_dim3A_633] : memref<32xf32, #tpu.memory_space<vmem>>[vector<16xi32>], vector<16xf32>,
      %broadcast_in_dim3A_635 = arith.constant 13 : i32
      %broadcast_in_dim3A_636 = vector.broadcast %broadcast_in_dim3A_635 : i32 to vector<16xi32>
      %gather3A_637 = tpu.vector_load_idx %arg11[%broadcast_in_dim3A_636] : memref<32xf32, #tpu.memory_space<vmem>>[vector<16xi32>], vector<16xf32>,
      %broadcast_in_dim3A_638 = arith.constant 14 : i32
      %broadcast_in_dim3A_639 = vector.broadcast %broadcast_in_dim3A_638 : i32 to vector<16xi32>
      %gather3A_640 = tpu.vector_load_idx %arg11[%broadcast_in_dim3A_639] : memref<32xf32, #tpu.memory_space<vmem>>[vector<16xi32>], vector<16xf32>,
      %mul3A_641 = arith.mulf %gather3A_625, %gather3A_631 : vector<16xf32>
      %mul3A_642 = arith.mulf %gather3A_625, %gather3A_634 : vector<16xf32>
      %mul3A_643 = arith.mulf %gather3A_628, %gather3A_637 : vector<16xf32>
      %mul3A_644 = arith.mulf %gather3A_628, %gather3A_640 : vector<16xf32>
      %mul3A_645 = arith.mulf %mul3A_641, %gather3A : vector<16xf32>
      %mul3A_646 = arith.mulf %mul3A_642, %gather3A_27 : vector<16xf32>
      %add3A_647 = arith.addf %mul3A_645, %mul3A_646 : vector<16xf32>
      %mul3A_648 = arith.mulf %mul3A_643, %gather3A_23 : vector<16xf32>
      %add3A_649 = arith.addf %add3A_647, %mul3A_648 : vector<16xf32>
      %mul3A_650 = arith.mulf %mul3A_644, %gather3A_34 : vector<16xf32>
      %add3A_651 = arith.addf %add3A_649, %mul3A_650 : vector<16xf32>
      %mul3A_652 = arith.mulf %mul3A_642, %gather3A : vector<16xf32>
      %mul3A_653 = arith.mulf %mul3A_641, %gather3A_27 : vector<16xf32>
      %sub3A_654 = arith.subf %mul3A_652, %mul3A_653 : vector<16xf32>
      %mul3A_655 = arith.mulf %mul3A_644, %gather3A_23 : vector<16xf32>
      %add3A_656 = arith.addf %sub3A_654, %mul3A_655 : vector<16xf32>
      %mul3A_657 = arith.mulf %mul3A_643, %gather3A_34 : vector<16xf32>
      %sub3A_658 = arith.subf %add3A_656, %mul3A_657 : vector<16xf32>
      %mul3A_659 = arith.mulf %add3A_651, %add3A_651 : vector<16xf32>
      %mul3A_660 = arith.mulf %sub3A_658, %sub3A_658 : vector<16xf32>
      %add3A_661 = arith.addf %mul3A_659, %mul3A_660 : vector<16xf32>
      %lt3A_662 = arith.constant 8 : i32
      %lt3A_663 = vector.broadcast %lt3A_662 : i32 to vector<16xi32>
      %lt3A_664 = arith.cmpi slt, %iota3A, %lt3A_663 : vector<16xi32>
      %jit3A_665 = arith.constant -1.000000e+00 : f32
      %broadcast_in_dim3A_666 = vector.broadcast %jit3A_665 : f32 to vector<16xf32>
      %select_n3A_667 = arith.select %lt3A_664, %add3A_661, %broadcast_in_dim3A_666 : vector<16xi1>, vector<16xf32>
      %masked_sort3A_668 = arith.constant dense<true> : vector<16xi1>
      %masked_sort3A_669, %masked_sort3A_670, %masked_sort3A_671 = tpu.sort %select_n3A_667, %iota3A masked %masked_sort3A_668 {descending = true} : (vector<16xf32>, vector<16xi32>, vector<16xi1>) -> (vector<16xi1>, vector<16xf32>, vector<16xi32>)
      %swap3A_672 = arith.constant 0 : index
      %swap3A_673 = tpu.vector_load %arg12[%swap3A_672] {strides = array<i32>} : memref<128xi32, #tpu.memory_space<vmem>>, vector<16xi32>,
      tpu.vector_store %arg12[%swap3A_672], %masked_sort3A_622 {strides = array<i32>} : memref<128xi32, #tpu.memory_space<vmem>>, vector<16xi32>,
      %swap3A_674 = arith.constant 16 : index
      %swap3A_675 = tpu.vector_load %arg12[%swap3A_674] {strides = array<i32>} : memref<128xi32, #tpu.memory_space<vmem>>, vector<16xi32>,
      tpu.vector_store %arg12[%swap3A_674], %masked_sort3A_622 {strides = array<i32>} : memref<128xi32, #tpu.memory_space<vmem>>, vector<16xi32>,
      %swap3A_676 = arith.constant 32 : index
      %swap3A_677 = tpu.vector_load %arg12[%swap3A_676] {strides = array<i32>} : memref<128xi32, #tpu.memory_space<vmem>>, vector<16xi32>,
      tpu.vector_store %arg12[%swap3A_676], %masked_sort3A_671 {strides = array<i32>} : memref<128xi32, #tpu.memory_space<vmem>>, vector<16xi32>,
      %swap3A_678 = arith.constant 48 : index
      %swap3A_679 = tpu.vector_load %arg12[%swap3A_678] {strides = array<i32>} : memref<128xi32, #tpu.memory_space<vmem>>, vector<16xi32>,
      tpu.vector_store %arg12[%swap3A_678], %masked_sort3A_671 {strides = array<i32>} : memref<128xi32, #tpu.memory_space<vmem>>, vector<16xi32>,
      %broadcast_in_dim3A_680 = arith.constant 16 : i32
      %broadcast_in_dim3A_681 = vector.broadcast %broadcast_in_dim3A_680 : i32 to vector<16xi32>
      %gather3A_682 = tpu.vector_load_idx %arg12[%broadcast_in_dim3A_681] : memref<128xi32, #tpu.memory_space<vmem>>[vector<16xi32>], vector<16xi32>,
      %mul3A_683 = arith.constant 256 : i32
      %mul3A_684 = vector.broadcast %mul3A_683 : i32 to vector<16xi32>
      %mul3A_685 = arith.muli %gather3A_682, %mul3A_684 : vector<16xi32>
      %add3A_686 = arith.constant 512 : i32
      %add3A_687 = vector.broadcast %add3A_686 : i32 to vector<16xi32>
      %add3A_688 = arith.addi %add3A_687, %mul3A_685 : vector<16xi32>
      %broadcast_in_dim3A_689 = arith.constant 48 : i32
      %broadcast_in_dim3A_690 = vector.broadcast %broadcast_in_dim3A_689 : i32 to vector<16xi32>
      %gather3A_691 = tpu.vector_load_idx %arg12[%broadcast_in_dim3A_690] : memref<128xi32, #tpu.memory_space<vmem>>[vector<16xi32>], vector<16xi32>,
      %mul3A_692 = arith.constant 256 : i32
      %mul3A_693 = vector.broadcast %mul3A_692 : i32 to vector<16xi32>
      %mul3A_694 = arith.muli %gather3A_691, %mul3A_693 : vector<16xi32>
      %add3A_695 = arith.constant 512 : i32
      %add3A_696 = vector.broadcast %add3A_695 : i32 to vector<16xi32>
      %add3A_697 = arith.addi %add3A_696, %mul3A_694 : vector<16xi32>
      %broadcast_in_dim3A_698 = arith.constant 1 : i32
      %broadcast_in_dim3A_699 = vector.broadcast %broadcast_in_dim3A_698 : i32 to vector<16xi32>
      %gather3A_700 = tpu.vector_load_idx %arg12[%broadcast_in_dim3A_699] : memref<128xi32, #tpu.memory_space<vmem>>[vector<16xi32>], vector<16xi32>,
      %mul3A_701 = arith.constant 256 : i32
      %mul3A_702 = vector.broadcast %mul3A_701 : i32 to vector<16xi32>
      %mul3A_703 = arith.muli %gather3A_700, %mul3A_702 : vector<16xi32>
      %add3A_704 = arith.constant 512 : i32
      %add3A_705 = vector.broadcast %add3A_704 : i32 to vector<16xi32>
      %add3A_706 = arith.addi %add3A_705, %mul3A_703 : vector<16xi32>
      %broadcast_in_dim3A_707 = arith.constant 33 : i32
      %broadcast_in_dim3A_708 = vector.broadcast %broadcast_in_dim3A_707 : i32 to vector<16xi32>
      %gather3A_709 = tpu.vector_load_idx %arg12[%broadcast_in_dim3A_708] : memref<128xi32, #tpu.memory_space<vmem>>[vector<16xi32>], vector<16xi32>,
      %mul3A_710 = arith.constant 256 : i32
      %mul3A_711 = vector.broadcast %mul3A_710 : i32 to vector<16xi32>
      %mul3A_712 = arith.muli %gather3A_709, %mul3A_711 : vector<16xi32>
      %add3A_713 = arith.constant 512 : i32
      %add3A_714 = vector.broadcast %add3A_713 : i32 to vector<16xi32>
      %add3A_715 = arith.addi %add3A_714, %mul3A_712 : vector<16xi32>
      %add3A_716 = arith.constant 0 : i32
      %add3A_717 = vector.broadcast %add3A_716 : i32 to vector<16xi32>
      %add3A_718 = arith.addi %add3A_717, %iota3A : vector<16xi32>
      %add3A_719 = arith.addi %add3A_688, %add3A_718 : vector<16xi32>
      %gather3A_720 = tpu.vector_load_idx %arg8[%add3A_719] : memref<4608xf32, #tpu.memory_space<vmem>>[vector<16xi32>], vector<16xf32>,
      %add3A_721 = arith.addi %add3A_706, %add3A_718 : vector<16xi32>
      %gather3A_722 = tpu.vector_load_idx %arg8[%add3A_721] : memref<4608xf32, #tpu.memory_space<vmem>>[vector<16xi32>], vector<16xf32>,
      %add3A_723 = arith.addf %gather3A_720, %gather3A_722 : vector<16xf32>
      %add3A_724 = arith.addi %add3A_697, %add3A_718 : vector<16xi32>
      %gather3A_725 = tpu.vector_load_idx %arg8[%add3A_724] : memref<4608xf32, #tpu.memory_space<vmem>>[vector<16xi32>], vector<16xf32>,
      %add3A_726 = arith.addi %add3A_715, %add3A_718 : vector<16xi32>
      %gather3A_727 = tpu.vector_load_idx %arg8[%add3A_726] : memref<4608xf32, #tpu.memory_space<vmem>>[vector<16xi32>], vector<16xf32>,
      %add3A_728 = arith.addf %gather3A_725, %gather3A_727 : vector<16xf32>
      %add3A_729 = arith.constant 128 : i32
      %add3A_730 = vector.broadcast %add3A_729 : i32 to vector<16xi32>
      %add3A_731 = arith.addi %add3A_688, %add3A_730 : vector<16xi32>
      %add3A_732 = arith.addi %add3A_731, %add3A_718 : vector<16xi32>
      %gather3A_733 = tpu.vector_load_idx %arg8[%add3A_732] : memref<4608xf32, #tpu.memory_space<vmem>>[vector<16xi32>], vector<16xf32>,
      %add3A_734 = arith.constant 128 : i32
      %add3A_735 = vector.broadcast %add3A_734 : i32 to vector<16xi32>
      %add3A_736 = arith.addi %add3A_706, %add3A_735 : vector<16xi32>
      %add3A_737 = arith.addi %add3A_736, %add3A_718 : vector<16xi32>
      %gather3A_738 = tpu.vector_load_idx %arg8[%add3A_737] : memref<4608xf32, #tpu.memory_space<vmem>>[vector<16xi32>], vector<16xf32>,
      %add3A_739 = arith.addf %gather3A_733, %gather3A_738 : vector<16xf32>
      %add3A_740 = arith.constant 128 : i32
      %add3A_741 = vector.broadcast %add3A_740 : i32 to vector<16xi32>
      %add3A_742 = arith.addi %add3A_697, %add3A_741 : vector<16xi32>
      %add3A_743 = arith.addi %add3A_742, %add3A_718 : vector<16xi32>
      %gather3A_744 = tpu.vector_load_idx %arg8[%add3A_743] : memref<4608xf32, #tpu.memory_space<vmem>>[vector<16xi32>], vector<16xf32>,
      %add3A_745 = arith.constant 128 : i32
      %add3A_746 = vector.broadcast %add3A_745 : i32 to vector<16xi32>
      %add3A_747 = arith.addi %add3A_715, %add3A_746 : vector<16xi32>
      %add3A_748 = arith.addi %add3A_747, %add3A_718 : vector<16xi32>
      %gather3A_749 = tpu.vector_load_idx %arg8[%add3A_748] : memref<4608xf32, #tpu.memory_space<vmem>>[vector<16xi32>], vector<16xf32>,
      %add3A_750 = arith.addf %gather3A_744, %gather3A_749 : vector<16xf32>
      %add3A_751 = arith.constant 0 : i32
      %add3A_752 = arith.addi %mul3A_46, %add3A_751 : i32
      %get3A_753 = arith.index_cast %add3A_752 : i32 to index
      %get3A_754 = tpu.vector_load %arg6[%get3A_753] {strides = array<i32>} : memref<4096xf32, #tpu.memory_space<vmem>>, vector<16xf32>,
      %add3A_755 = arith.constant 0 : i32
      %add3A_756 = arith.addi %mul3A_46, %add3A_755 : i32
      %get3A_757 = arith.index_cast %add3A_756 : i32 to index
      %get3A_758 = tpu.vector_load %arg7[%get3A_757] {strides = array<i32>} : memref<4096xf32, #tpu.memory_space<vmem>>, vector<16xf32>,
      %mul3A_759 = arith.mulf %add3A_723, %get3A_754 : vector<16xf32>
      %mul3A_760 = arith.mulf %add3A_739, %get3A_758 : vector<16xf32>
      %add3A_761 = arith.addf %mul3A_759, %mul3A_760 : vector<16xf32>
      %add3A_762 = arith.constant 0 : i32
      %add3A_763 = arith.addi %mul3A_46, %add3A_762 : i32
      %swap3A_764 = arith.index_cast %add3A_763 : i32 to index
      %swap3A_765 = tpu.vector_load %arg9[%swap3A_764] {strides = array<i32>} : memref<4096xf32, #tpu.memory_space<vmem>>, vector<16xf32>,
      tpu.vector_store %arg9[%swap3A_764], %add3A_761 {strides = array<i32>} : memref<4096xf32, #tpu.memory_space<vmem>>, vector<16xf32>,
      %add3A_766 = arith.constant 0 : i32
      %add3A_767 = arith.addi %mul3A_52, %add3A_766 : i32
      %get3A_768 = arith.index_cast %add3A_767 : i32 to index
      %get3A_769 = tpu.vector_load %arg6[%get3A_768] {strides = array<i32>} : memref<4096xf32, #tpu.memory_space<vmem>>, vector<16xf32>,
      %add3A_770 = arith.constant 0 : i32
      %add3A_771 = arith.addi %mul3A_52, %add3A_770 : i32
      %get3A_772 = arith.index_cast %add3A_771 : i32 to index
      %get3A_773 = tpu.vector_load %arg7[%get3A_772] {strides = array<i32>} : memref<4096xf32, #tpu.memory_space<vmem>>, vector<16xf32>,
      %mul3A_774 = arith.mulf %add3A_728, %get3A_769 : vector<16xf32>
      %mul3A_775 = arith.mulf %add3A_750, %get3A_773 : vector<16xf32>
      %add3A_776 = arith.addf %mul3A_774, %mul3A_775 : vector<16xf32>
      %add3A_777 = arith.constant 0 : i32
      %add3A_778 = arith.addi %mul3A_52, %add3A_777 : i32
      %swap3A_779 = arith.index_cast %add3A_778 : i32 to index
      %swap3A_780 = tpu.vector_load %arg9[%swap3A_779] {strides = array<i32>} : memref<4096xf32, #tpu.memory_space<vmem>>, vector<16xf32>,
      tpu.vector_store %arg9[%swap3A_779], %add3A_776 {strides = array<i32>} : memref<4096xf32, #tpu.memory_space<vmem>>, vector<16xf32>,
      %add3A_781 = arith.constant 16 : i32
      %add3A_782 = vector.broadcast %add3A_781 : i32 to vector<16xi32>
      %add3A_783 = arith.addi %add3A_782, %iota3A : vector<16xi32>
      %add3A_784 = arith.addi %add3A_688, %add3A_783 : vector<16xi32>
      %gather3A_785 = tpu.vector_load_idx %arg8[%add3A_784] : memref<4608xf32, #tpu.memory_space<vmem>>[vector<16xi32>], vector<16xf32>,
      %add3A_786 = arith.addi %add3A_706, %add3A_783 : vector<16xi32>
      %gather3A_787 = tpu.vector_load_idx %arg8[%add3A_786] : memref<4608xf32, #tpu.memory_space<vmem>>[vector<16xi32>], vector<16xf32>,
      %add3A_788 = arith.addf %gather3A_785, %gather3A_787 : vector<16xf32>
      %add3A_789 = arith.addi %add3A_697, %add3A_783 : vector<16xi32>
      %gather3A_790 = tpu.vector_load_idx %arg8[%add3A_789] : memref<4608xf32, #tpu.memory_space<vmem>>[vector<16xi32>], vector<16xf32>,
      %add3A_791 = arith.addi %add3A_715, %add3A_783 : vector<16xi32>
      %gather3A_792 = tpu.vector_load_idx %arg8[%add3A_791] : memref<4608xf32, #tpu.memory_space<vmem>>[vector<16xi32>], vector<16xf32>,
      %add3A_793 = arith.addf %gather3A_790, %gather3A_792 : vector<16xf32>
      %add3A_794 = arith.constant 128 : i32
      %add3A_795 = vector.broadcast %add3A_794 : i32 to vector<16xi32>
      %add3A_796 = arith.addi %add3A_688, %add3A_795 : vector<16xi32>
      %add3A_797 = arith.addi %add3A_796, %add3A_783 : vector<16xi32>
      %gather3A_798 = tpu.vector_load_idx %arg8[%add3A_797] : memref<4608xf32, #tpu.memory_space<vmem>>[vector<16xi32>], vector<16xf32>,
      %add3A_799 = arith.constant 128 : i32
      %add3A_800 = vector.broadcast %add3A_799 : i32 to vector<16xi32>
      %add3A_801 = arith.addi %add3A_706, %add3A_800 : vector<16xi32>
      %add3A_802 = arith.addi %add3A_801, %add3A_783 : vector<16xi32>
      %gather3A_803 = tpu.vector_load_idx %arg8[%add3A_802] : memref<4608xf32, #tpu.memory_space<vmem>>[vector<16xi32>], vector<16xf32>,
      %add3A_804 = arith.addf %gather3A_798, %gather3A_803 : vector<16xf32>
      %add3A_805 = arith.constant 128 : i32
      %add3A_806 = vector.broadcast %add3A_805 : i32 to vector<16xi32>
      %add3A_807 = arith.addi %add3A_697, %add3A_806 : vector<16xi32>
      %add3A_808 = arith.addi %add3A_807, %add3A_783 : vector<16xi32>
      %gather3A_809 = tpu.vector_load_idx %arg8[%add3A_808] : memref<4608xf32, #tpu.memory_space<vmem>>[vector<16xi32>], vector<16xf32>,
      %add3A_810 = arith.constant 128 : i32
      %add3A_811 = vector.broadcast %add3A_810 : i32 to vector<16xi32>
      %add3A_812 = arith.addi %add3A_715, %add3A_811 : vector<16xi32>
      %add3A_813 = arith.addi %add3A_812, %add3A_783 : vector<16xi32>
      %gather3A_814 = tpu.vector_load_idx %arg8[%add3A_813] : memref<4608xf32, #tpu.memory_space<vmem>>[vector<16xi32>], vector<16xf32>,
      %add3A_815 = arith.addf %gather3A_809, %gather3A_814 : vector<16xf32>
      %add3A_816 = arith.constant 16 : i32
      %add3A_817 = arith.addi %mul3A_46, %add3A_816 : i32
      %get3A_818 = arith.index_cast %add3A_817 : i32 to index
      %get3A_819 = tpu.vector_load %arg6[%get3A_818] {strides = array<i32>} : memref<4096xf32, #tpu.memory_space<vmem>>, vector<16xf32>,
      %add3A_820 = arith.constant 16 : i32
      %add3A_821 = arith.addi %mul3A_46, %add3A_820 : i32
      %get3A_822 = arith.index_cast %add3A_821 : i32 to index
      %get3A_823 = tpu.vector_load %arg7[%get3A_822] {strides = array<i32>} : memref<4096xf32, #tpu.memory_space<vmem>>, vector<16xf32>,
      %mul3A_824 = arith.mulf %add3A_788, %get3A_819 : vector<16xf32>
      %mul3A_825 = arith.mulf %add3A_804, %get3A_823 : vector<16xf32>
      %add3A_826 = arith.addf %mul3A_824, %mul3A_825 : vector<16xf32>
      %add3A_827 = arith.constant 16 : i32
      %add3A_828 = arith.addi %mul3A_46, %add3A_827 : i32
      %swap3A_829 = arith.index_cast %add3A_828 : i32 to index
      %swap3A_830 = tpu.vector_load %arg9[%swap3A_829] {strides = array<i32>} : memref<4096xf32, #tpu.memory_space<vmem>>, vector<16xf32>,
      tpu.vector_store %arg9[%swap3A_829], %add3A_826 {strides = array<i32>} : memref<4096xf32, #tpu.memory_space<vmem>>, vector<16xf32>,
      %add3A_831 = arith.constant 16 : i32
      %add3A_832 = arith.addi %mul3A_52, %add3A_831 : i32
      %get3A_833 = arith.index_cast %add3A_832 : i32 to index
      %get3A_834 = tpu.vector_load %arg6[%get3A_833] {strides = array<i32>} : memref<4096xf32, #tpu.memory_space<vmem>>, vector<16xf32>,
      %add3A_835 = arith.constant 16 : i32
      %add3A_836 = arith.addi %mul3A_52, %add3A_835 : i32
      %get3A_837 = arith.index_cast %add3A_836 : i32 to index
      %get3A_838 = tpu.vector_load %arg7[%get3A_837] {strides = array<i32>} : memref<4096xf32, #tpu.memory_space<vmem>>, vector<16xf32>,
      %mul3A_839 = arith.mulf %add3A_793, %get3A_834 : vector<16xf32>
      %mul3A_840 = arith.mulf %add3A_815, %get3A_838 : vector<16xf32>
      %add3A_841 = arith.addf %mul3A_839, %mul3A_840 : vector<16xf32>
      %add3A_842 = arith.constant 16 : i32
      %add3A_843 = arith.addi %mul3A_52, %add3A_842 : i32
      %swap3A_844 = arith.index_cast %add3A_843 : i32 to index
      %swap3A_845 = tpu.vector_load %arg9[%swap3A_844] {strides = array<i32>} : memref<4096xf32, #tpu.memory_space<vmem>>, vector<16xf32>,
      tpu.vector_store %arg9[%swap3A_844], %add3A_841 {strides = array<i32>} : memref<4096xf32, #tpu.memory_space<vmem>>, vector<16xf32>,
      %add3A_846 = arith.constant 32 : i32
      %add3A_847 = vector.broadcast %add3A_846 : i32 to vector<16xi32>
      %add3A_848 = arith.addi %add3A_847, %iota3A : vector<16xi32>
      %add3A_849 = arith.addi %add3A_688, %add3A_848 : vector<16xi32>
      %gather3A_850 = tpu.vector_load_idx %arg8[%add3A_849] : memref<4608xf32, #tpu.memory_space<vmem>>[vector<16xi32>], vector<16xf32>,
      %add3A_851 = arith.addi %add3A_706, %add3A_848 : vector<16xi32>
      %gather3A_852 = tpu.vector_load_idx %arg8[%add3A_851] : memref<4608xf32, #tpu.memory_space<vmem>>[vector<16xi32>], vector<16xf32>,
      %add3A_853 = arith.addf %gather3A_850, %gather3A_852 : vector<16xf32>
      %add3A_854 = arith.addi %add3A_697, %add3A_848 : vector<16xi32>
      %gather3A_855 = tpu.vector_load_idx %arg8[%add3A_854] : memref<4608xf32, #tpu.memory_space<vmem>>[vector<16xi32>], vector<16xf32>,
      %add3A_856 = arith.addi %add3A_715, %add3A_848 : vector<16xi32>
      %gather3A_857 = tpu.vector_load_idx %arg8[%add3A_856] : memref<4608xf32, #tpu.memory_space<vmem>>[vector<16xi32>], vector<16xf32>,
      %add3A_858 = arith.addf %gather3A_855, %gather3A_857 : vector<16xf32>
      %add3A_859 = arith.constant 128 : i32
      %add3A_860 = vector.broadcast %add3A_859 : i32 to vector<16xi32>
      %add3A_861 = arith.addi %add3A_688, %add3A_860 : vector<16xi32>
      %add3A_862 = arith.addi %add3A_861, %add3A_848 : vector<16xi32>
      %gather3A_863 = tpu.vector_load_idx %arg8[%add3A_862] : memref<4608xf32, #tpu.memory_space<vmem>>[vector<16xi32>], vector<16xf32>,
      %add3A_864 = arith.constant 128 : i32
      %add3A_865 = vector.broadcast %add3A_864 : i32 to vector<16xi32>
      %add3A_866 = arith.addi %add3A_706, %add3A_865 : vector<16xi32>
      %add3A_867 = arith.addi %add3A_866, %add3A_848 : vector<16xi32>
      %gather3A_868 = tpu.vector_load_idx %arg8[%add3A_867] : memref<4608xf32, #tpu.memory_space<vmem>>[vector<16xi32>], vector<16xf32>,
      %add3A_869 = arith.addf %gather3A_863, %gather3A_868 : vector<16xf32>
      %add3A_870 = arith.constant 128 : i32
      %add3A_871 = vector.broadcast %add3A_870 : i32 to vector<16xi32>
      %add3A_872 = arith.addi %add3A_697, %add3A_871 : vector<16xi32>
      %add3A_873 = arith.addi %add3A_872, %add3A_848 : vector<16xi32>
      %gather3A_874 = tpu.vector_load_idx %arg8[%add3A_873] : memref<4608xf32, #tpu.memory_space<vmem>>[vector<16xi32>], vector<16xf32>,
      %add3A_875 = arith.constant 128 : i32
      %add3A_876 = vector.broadcast %add3A_875 : i32 to vector<16xi32>
      %add3A_877 = arith.addi %add3A_715, %add3A_876 : vector<16xi32>
      %add3A_878 = arith.addi %add3A_877, %add3A_848 : vector<16xi32>
      %gather3A_879 = tpu.vector_load_idx %arg8[%add3A_878] : memref<4608xf32, #tpu.memory_space<vmem>>[vector<16xi32>], vector<16xf32>,
      %add3A_880 = arith.addf %gather3A_874, %gather3A_879 : vector<16xf32>
      %add3A_881 = arith.constant 32 : i32
      %add3A_882 = arith.addi %mul3A_46, %add3A_881 : i32
      %get3A_883 = arith.index_cast %add3A_882 : i32 to index
      %get3A_884 = tpu.vector_load %arg6[%get3A_883] {strides = array<i32>} : memref<4096xf32, #tpu.memory_space<vmem>>, vector<16xf32>,
      %add3A_885 = arith.constant 32 : i32
      %add3A_886 = arith.addi %mul3A_46, %add3A_885 : i32
      %get3A_887 = arith.index_cast %add3A_886 : i32 to index
      %get3A_888 = tpu.vector_load %arg7[%get3A_887] {strides = array<i32>} : memref<4096xf32, #tpu.memory_space<vmem>>, vector<16xf32>,
      %mul3A_889 = arith.mulf %add3A_853, %get3A_884 : vector<16xf32>
      %mul3A_890 = arith.mulf %add3A_869, %get3A_888 : vector<16xf32>
      %add3A_891 = arith.addf %mul3A_889, %mul3A_890 : vector<16xf32>
      %add3A_892 = arith.constant 32 : i32
      %add3A_893 = arith.addi %mul3A_46, %add3A_892 : i32
      %swap3A_894 = arith.index_cast %add3A_893 : i32 to index
      %swap3A_895 = tpu.vector_load %arg9[%swap3A_894] {strides = array<i32>} : memref<4096xf32, #tpu.memory_space<vmem>>, vector<16xf32>,
      tpu.vector_store %arg9[%swap3A_894], %add3A_891 {strides = array<i32>} : memref<4096xf32, #tpu.memory_space<vmem>>, vector<16xf32>,
      %add3A_896 = arith.constant 32 : i32
      %add3A_897 = arith.addi %mul3A_52, %add3A_896 : i32
      %get3A_898 = arith.index_cast %add3A_897 : i32 to index
      %get3A_899 = tpu.vector_load %arg6[%get3A_898] {strides = array<i32>} : memref<4096xf32, #tpu.memory_space<vmem>>, vector<16xf32>,
      %add3A_900 = arith.constant 32 : i32
      %add3A_901 = arith.addi %mul3A_52, %add3A_900 : i32
      %get3A_902 = arith.index_cast %add3A_901 : i32 to index
      %get3A_903 = tpu.vector_load %arg7[%get3A_902] {strides = array<i32>} : memref<4096xf32, #tpu.memory_space<vmem>>, vector<16xf32>,
      %mul3A_904 = arith.mulf %add3A_858, %get3A_899 : vector<16xf32>
      %mul3A_905 = arith.mulf %add3A_880, %get3A_903 : vector<16xf32>
      %add3A_906 = arith.addf %mul3A_904, %mul3A_905 : vector<16xf32>
      %add3A_907 = arith.constant 32 : i32
      %add3A_908 = arith.addi %mul3A_52, %add3A_907 : i32
      %swap3A_909 = arith.index_cast %add3A_908 : i32 to index
      %swap3A_910 = tpu.vector_load %arg9[%swap3A_909] {strides = array<i32>} : memref<4096xf32, #tpu.memory_space<vmem>>, vector<16xf32>,
      tpu.vector_store %arg9[%swap3A_909], %add3A_906 {strides = array<i32>} : memref<4096xf32, #tpu.memory_space<vmem>>, vector<16xf32>,
      %add3A_911 = arith.constant 48 : i32
      %add3A_912 = vector.broadcast %add3A_911 : i32 to vector<16xi32>
      %add3A_913 = arith.addi %add3A_912, %iota3A : vector<16xi32>
      %add3A_914 = arith.addi %add3A_688, %add3A_913 : vector<16xi32>
      %gather3A_915 = tpu.vector_load_idx %arg8[%add3A_914] : memref<4608xf32, #tpu.memory_space<vmem>>[vector<16xi32>], vector<16xf32>,
      %add3A_916 = arith.addi %add3A_706, %add3A_913 : vector<16xi32>
      %gather3A_917 = tpu.vector_load_idx %arg8[%add3A_916] : memref<4608xf32, #tpu.memory_space<vmem>>[vector<16xi32>], vector<16xf32>,
      %add3A_918 = arith.addf %gather3A_915, %gather3A_917 : vector<16xf32>
      %add3A_919 = arith.addi %add3A_697, %add3A_913 : vector<16xi32>
      %gather3A_920 = tpu.vector_load_idx %arg8[%add3A_919] : memref<4608xf32, #tpu.memory_space<vmem>>[vector<16xi32>], vector<16xf32>,
      %add3A_921 = arith.addi %add3A_715, %add3A_913 : vector<16xi32>
      %gather3A_922 = tpu.vector_load_idx %arg8[%add3A_921] : memref<4608xf32, #tpu.memory_space<vmem>>[vector<16xi32>], vector<16xf32>,
      %add3A_923 = arith.addf %gather3A_920, %gather3A_922 : vector<16xf32>
      %add3A_924 = arith.constant 128 : i32
      %add3A_925 = vector.broadcast %add3A_924 : i32 to vector<16xi32>
      %add3A_926 = arith.addi %add3A_688, %add3A_925 : vector<16xi32>
      %add3A_927 = arith.addi %add3A_926, %add3A_913 : vector<16xi32>
      %gather3A_928 = tpu.vector_load_idx %arg8[%add3A_927] : memref<4608xf32, #tpu.memory_space<vmem>>[vector<16xi32>], vector<16xf32>,
      %add3A_929 = arith.constant 128 : i32
      %add3A_930 = vector.broadcast %add3A_929 : i32 to vector<16xi32>
      %add3A_931 = arith.addi %add3A_706, %add3A_930 : vector<16xi32>
      %add3A_932 = arith.addi %add3A_931, %add3A_913 : vector<16xi32>
      %gather3A_933 = tpu.vector_load_idx %arg8[%add3A_932] : memref<4608xf32, #tpu.memory_space<vmem>>[vector<16xi32>], vector<16xf32>,
      %add3A_934 = arith.addf %gather3A_928, %gather3A_933 : vector<16xf32>
      %add3A_935 = arith.constant 128 : i32
      %add3A_936 = vector.broadcast %add3A_935 : i32 to vector<16xi32>
      %add3A_937 = arith.addi %add3A_697, %add3A_936 : vector<16xi32>
      %add3A_938 = arith.addi %add3A_937, %add3A_913 : vector<16xi32>
      %gather3A_939 = tpu.vector_load_idx %arg8[%add3A_938] : memref<4608xf32, #tpu.memory_space<vmem>>[vector<16xi32>], vector<16xf32>,
      %add3A_940 = arith.constant 128 : i32
      %add3A_941 = vector.broadcast %add3A_940 : i32 to vector<16xi32>
      %add3A_942 = arith.addi %add3A_715, %add3A_941 : vector<16xi32>
      %add3A_943 = arith.addi %add3A_942, %add3A_913 : vector<16xi32>
      %gather3A_944 = tpu.vector_load_idx %arg8[%add3A_943] : memref<4608xf32, #tpu.memory_space<vmem>>[vector<16xi32>], vector<16xf32>,
      %add3A_945 = arith.addf %gather3A_939, %gather3A_944 : vector<16xf32>
      %add3A_946 = arith.constant 48 : i32
      %add3A_947 = arith.addi %mul3A_46, %add3A_946 : i32
      %get3A_948 = arith.index_cast %add3A_947 : i32 to index
      %get3A_949 = tpu.vector_load %arg6[%get3A_948] {strides = array<i32>} : memref<4096xf32, #tpu.memory_space<vmem>>, vector<16xf32>,
      %add3A_950 = arith.constant 48 : i32
      %add3A_951 = arith.addi %mul3A_46, %add3A_950 : i32
      %get3A_952 = arith.index_cast %add3A_951 : i32 to index
      %get3A_953 = tpu.vector_load %arg7[%get3A_952] {strides = array<i32>} : memref<4096xf32, #tpu.memory_space<vmem>>, vector<16xf32>,
      %mul3A_954 = arith.mulf %add3A_918, %get3A_949 : vector<16xf32>
      %mul3A_955 = arith.mulf %add3A_934, %get3A_953 : vector<16xf32>
      %add3A_956 = arith.addf %mul3A_954, %mul3A_955 : vector<16xf32>
      %add3A_957 = arith.constant 48 : i32
      %add3A_958 = arith.addi %mul3A_46, %add3A_957 : i32
      %swap3A_959 = arith.index_cast %add3A_958 : i32 to index
      %swap3A_960 = tpu.vector_load %arg9[%swap3A_959] {strides = array<i32>} : memref<4096xf32, #tpu.memory_space<vmem>>, vector<16xf32>,
      tpu.vector_store %arg9[%swap3A_959], %add3A_956 {strides = array<i32>} : memref<4096xf32, #tpu.memory_space<vmem>>, vector<16xf32>,
      %add3A_961 = arith.constant 48 : i32
      %add3A_962 = arith.addi %mul3A_52, %add3A_961 : i32
      %get3A_963 = arith.index_cast %add3A_962 : i32 to index
      %get3A_964 = tpu.vector_load %arg6[%get3A_963] {strides = array<i32>} : memref<4096xf32, #tpu.memory_space<vmem>>, vector<16xf32>,
      %add3A_965 = arith.constant 48 : i32
      %add3A_966 = arith.addi %mul3A_52, %add3A_965 : i32
      %get3A_967 = arith.index_cast %add3A_966 : i32 to index
      %get3A_968 = tpu.vector_load %arg7[%get3A_967] {strides = array<i32>} : memref<4096xf32, #tpu.memory_space<vmem>>, vector<16xf32>,
      %mul3A_969 = arith.mulf %add3A_923, %get3A_964 : vector<16xf32>
      %mul3A_970 = arith.mulf %add3A_945, %get3A_968 : vector<16xf32>
      %add3A_971 = arith.addf %mul3A_969, %mul3A_970 : vector<16xf32>
      %add3A_972 = arith.constant 48 : i32
      %add3A_973 = arith.addi %mul3A_52, %add3A_972 : i32
      %swap3A_974 = arith.index_cast %add3A_973 : i32 to index
      %swap3A_975 = tpu.vector_load %arg9[%swap3A_974] {strides = array<i32>} : memref<4096xf32, #tpu.memory_space<vmem>>, vector<16xf32>,
      tpu.vector_store %arg9[%swap3A_974], %add3A_971 {strides = array<i32>} : memref<4096xf32, #tpu.memory_space<vmem>>, vector<16xf32>,
      %add3A_976 = arith.constant 64 : i32
      %add3A_977 = vector.broadcast %add3A_976 : i32 to vector<16xi32>
      %add3A_978 = arith.addi %add3A_977, %iota3A : vector<16xi32>
      %add3A_979 = arith.addi %add3A_688, %add3A_978 : vector<16xi32>
      %gather3A_980 = tpu.vector_load_idx %arg8[%add3A_979] : memref<4608xf32, #tpu.memory_space<vmem>>[vector<16xi32>], vector<16xf32>,
      %add3A_981 = arith.addi %add3A_706, %add3A_978 : vector<16xi32>
      %gather3A_982 = tpu.vector_load_idx %arg8[%add3A_981] : memref<4608xf32, #tpu.memory_space<vmem>>[vector<16xi32>], vector<16xf32>,
      %add3A_983 = arith.addf %gather3A_980, %gather3A_982 : vector<16xf32>
      %add3A_984 = arith.addi %add3A_697, %add3A_978 : vector<16xi32>
      %gather3A_985 = tpu.vector_load_idx %arg8[%add3A_984] : memref<4608xf32, #tpu.memory_space<vmem>>[vector<16xi32>], vector<16xf32>,
      %add3A_986 = arith.addi %add3A_715, %add3A_978 : vector<16xi32>
      %gather3A_987 = tpu.vector_load_idx %arg8[%add3A_986] : memref<4608xf32, #tpu.memory_space<vmem>>[vector<16xi32>], vector<16xf32>,
      %add3A_988 = arith.addf %gather3A_985, %gather3A_987 : vector<16xf32>
      %add3A_989 = arith.constant 128 : i32
      %add3A_990 = vector.broadcast %add3A_989 : i32 to vector<16xi32>
      %add3A_991 = arith.addi %add3A_688, %add3A_990 : vector<16xi32>
      %add3A_992 = arith.addi %add3A_991, %add3A_978 : vector<16xi32>
      %gather3A_993 = tpu.vector_load_idx %arg8[%add3A_992] : memref<4608xf32, #tpu.memory_space<vmem>>[vector<16xi32>], vector<16xf32>,
      %add3A_994 = arith.constant 128 : i32
      %add3A_995 = vector.broadcast %add3A_994 : i32 to vector<16xi32>
      %add3A_996 = arith.addi %add3A_706, %add3A_995 : vector<16xi32>
      %add3A_997 = arith.addi %add3A_996, %add3A_978 : vector<16xi32>
      %gather3A_998 = tpu.vector_load_idx %arg8[%add3A_997] : memref<4608xf32, #tpu.memory_space<vmem>>[vector<16xi32>], vector<16xf32>,
      %add3A_999 = arith.addf %gather3A_993, %gather3A_998 : vector<16xf32>
      %add3A_1000 = arith.constant 128 : i32
      %add3A_1001 = vector.broadcast %add3A_1000 : i32 to vector<16xi32>
      %add3A_1002 = arith.addi %add3A_697, %add3A_1001 : vector<16xi32>
      %add3A_1003 = arith.addi %add3A_1002, %add3A_978 : vector<16xi32>
      %gather3A_1004 = tpu.vector_load_idx %arg8[%add3A_1003] : memref<4608xf32, #tpu.memory_space<vmem>>[vector<16xi32>], vector<16xf32>,
      %add3A_1005 = arith.constant 128 : i32
      %add3A_1006 = vector.broadcast %add3A_1005 : i32 to vector<16xi32>
      %add3A_1007 = arith.addi %add3A_715, %add3A_1006 : vector<16xi32>
      %add3A_1008 = arith.addi %add3A_1007, %add3A_978 : vector<16xi32>
      %gather3A_1009 = tpu.vector_load_idx %arg8[%add3A_1008] : memref<4608xf32, #tpu.memory_space<vmem>>[vector<16xi32>], vector<16xf32>,
      %add3A_1010 = arith.addf %gather3A_1004, %gather3A_1009 : vector<16xf32>
      %add3A_1011 = arith.constant 64 : i32
      %add3A_1012 = arith.addi %mul3A_46, %add3A_1011 : i32
      %get3A_1013 = arith.index_cast %add3A_1012 : i32 to index
      %get3A_1014 = tpu.vector_load %arg6[%get3A_1013] {strides = array<i32>} : memref<4096xf32, #tpu.memory_space<vmem>>, vector<16xf32>,
      %add3A_1015 = arith.constant 64 : i32
      %add3A_1016 = arith.addi %mul3A_46, %add3A_1015 : i32
      %get3A_1017 = arith.index_cast %add3A_1016 : i32 to index
      %get3A_1018 = tpu.vector_load %arg7[%get3A_1017] {strides = array<i32>} : memref<4096xf32, #tpu.memory_space<vmem>>, vector<16xf32>,
      %mul3A_1019 = arith.mulf %add3A_983, %get3A_1014 : vector<16xf32>
      %mul3A_1020 = arith.mulf %add3A_999, %get3A_1018 : vector<16xf32>
      %add3A_1021 = arith.addf %mul3A_1019, %mul3A_1020 : vector<16xf32>
      %add3A_1022 = arith.constant 64 : i32
      %add3A_1023 = arith.addi %mul3A_46, %add3A_1022 : i32
      %swap3A_1024 = arith.index_cast %add3A_1023 : i32 to index
      %swap3A_1025 = tpu.vector_load %arg9[%swap3A_1024] {strides = array<i32>} : memref<4096xf32, #tpu.memory_space<vmem>>, vector<16xf32>,
      tpu.vector_store %arg9[%swap3A_1024], %add3A_1021 {strides = array<i32>} : memref<4096xf32, #tpu.memory_space<vmem>>, vector<16xf32>,
      %add3A_1026 = arith.constant 64 : i32
      %add3A_1027 = arith.addi %mul3A_52, %add3A_1026 : i32
      %get3A_1028 = arith.index_cast %add3A_1027 : i32 to index
      %get3A_1029 = tpu.vector_load %arg6[%get3A_1028] {strides = array<i32>} : memref<4096xf32, #tpu.memory_space<vmem>>, vector<16xf32>,
      %add3A_1030 = arith.constant 64 : i32
      %add3A_1031 = arith.addi %mul3A_52, %add3A_1030 : i32
      %get3A_1032 = arith.index_cast %add3A_1031 : i32 to index
      %get3A_1033 = tpu.vector_load %arg7[%get3A_1032] {strides = array<i32>} : memref<4096xf32, #tpu.memory_space<vmem>>, vector<16xf32>,
      %mul3A_1034 = arith.mulf %add3A_988, %get3A_1029 : vector<16xf32>
      %mul3A_1035 = arith.mulf %add3A_1010, %get3A_1033 : vector<16xf32>
      %add3A_1036 = arith.addf %mul3A_1034, %mul3A_1035 : vector<16xf32>
      %add3A_1037 = arith.constant 64 : i32
      %add3A_1038 = arith.addi %mul3A_52, %add3A_1037 : i32
      %swap3A_1039 = arith.index_cast %add3A_1038 : i32 to index
      %swap3A_1040 = tpu.vector_load %arg9[%swap3A_1039] {strides = array<i32>} : memref<4096xf32, #tpu.memory_space<vmem>>, vector<16xf32>,
      tpu.vector_store %arg9[%swap3A_1039], %add3A_1036 {strides = array<i32>} : memref<4096xf32, #tpu.memory_space<vmem>>, vector<16xf32>,
      %add3A_1041 = arith.constant 80 : i32
      %add3A_1042 = vector.broadcast %add3A_1041 : i32 to vector<16xi32>
      %add3A_1043 = arith.addi %add3A_1042, %iota3A : vector<16xi32>
      %add3A_1044 = arith.addi %add3A_688, %add3A_1043 : vector<16xi32>
      %gather3A_1045 = tpu.vector_load_idx %arg8[%add3A_1044] : memref<4608xf32, #tpu.memory_space<vmem>>[vector<16xi32>], vector<16xf32>,
      %add3A_1046 = arith.addi %add3A_706, %add3A_1043 : vector<16xi32>
      %gather3A_1047 = tpu.vector_load_idx %arg8[%add3A_1046] : memref<4608xf32, #tpu.memory_space<vmem>>[vector<16xi32>], vector<16xf32>,
      %add3A_1048 = arith.addf %gather3A_1045, %gather3A_1047 : vector<16xf32>
      %add3A_1049 = arith.addi %add3A_697, %add3A_1043 : vector<16xi32>
      %gather3A_1050 = tpu.vector_load_idx %arg8[%add3A_1049] : memref<4608xf32, #tpu.memory_space<vmem>>[vector<16xi32>], vector<16xf32>,
      %add3A_1051 = arith.addi %add3A_715, %add3A_1043 : vector<16xi32>
      %gather3A_1052 = tpu.vector_load_idx %arg8[%add3A_1051] : memref<4608xf32, #tpu.memory_space<vmem>>[vector<16xi32>], vector<16xf32>,
      %add3A_1053 = arith.addf %gather3A_1050, %gather3A_1052 : vector<16xf32>
      %add3A_1054 = arith.constant 128 : i32
      %add3A_1055 = vector.broadcast %add3A_1054 : i32 to vector<16xi32>
      %add3A_1056 = arith.addi %add3A_688, %add3A_1055 : vector<16xi32>
      %add3A_1057 = arith.addi %add3A_1056, %add3A_1043 : vector<16xi32>
      %gather3A_1058 = tpu.vector_load_idx %arg8[%add3A_1057] : memref<4608xf32, #tpu.memory_space<vmem>>[vector<16xi32>], vector<16xf32>,
      %add3A_1059 = arith.constant 128 : i32
      %add3A_1060 = vector.broadcast %add3A_1059 : i32 to vector<16xi32>
      %add3A_1061 = arith.addi %add3A_706, %add3A_1060 : vector<16xi32>
      %add3A_1062 = arith.addi %add3A_1061, %add3A_1043 : vector<16xi32>
      %gather3A_1063 = tpu.vector_load_idx %arg8[%add3A_1062] : memref<4608xf32, #tpu.memory_space<vmem>>[vector<16xi32>], vector<16xf32>,
      %add3A_1064 = arith.addf %gather3A_1058, %gather3A_1063 : vector<16xf32>
      %add3A_1065 = arith.constant 128 : i32
      %add3A_1066 = vector.broadcast %add3A_1065 : i32 to vector<16xi32>
      %add3A_1067 = arith.addi %add3A_697, %add3A_1066 : vector<16xi32>
      %add3A_1068 = arith.addi %add3A_1067, %add3A_1043 : vector<16xi32>
      %gather3A_1069 = tpu.vector_load_idx %arg8[%add3A_1068] : memref<4608xf32, #tpu.memory_space<vmem>>[vector<16xi32>], vector<16xf32>,
      %add3A_1070 = arith.constant 128 : i32
      %add3A_1071 = vector.broadcast %add3A_1070 : i32 to vector<16xi32>
      %add3A_1072 = arith.addi %add3A_715, %add3A_1071 : vector<16xi32>
      %add3A_1073 = arith.addi %add3A_1072, %add3A_1043 : vector<16xi32>
      %gather3A_1074 = tpu.vector_load_idx %arg8[%add3A_1073] : memref<4608xf32, #tpu.memory_space<vmem>>[vector<16xi32>], vector<16xf32>,
      %add3A_1075 = arith.addf %gather3A_1069, %gather3A_1074 : vector<16xf32>
      %add3A_1076 = arith.constant 80 : i32
      %add3A_1077 = arith.addi %mul3A_46, %add3A_1076 : i32
      %get3A_1078 = arith.index_cast %add3A_1077 : i32 to index
      %get3A_1079 = tpu.vector_load %arg6[%get3A_1078] {strides = array<i32>} : memref<4096xf32, #tpu.memory_space<vmem>>, vector<16xf32>,
      %add3A_1080 = arith.constant 80 : i32
      %add3A_1081 = arith.addi %mul3A_46, %add3A_1080 : i32
      %get3A_1082 = arith.index_cast %add3A_1081 : i32 to index
      %get3A_1083 = tpu.vector_load %arg7[%get3A_1082] {strides = array<i32>} : memref<4096xf32, #tpu.memory_space<vmem>>, vector<16xf32>,
      %mul3A_1084 = arith.mulf %add3A_1048, %get3A_1079 : vector<16xf32>
      %mul3A_1085 = arith.mulf %add3A_1064, %get3A_1083 : vector<16xf32>
      %add3A_1086 = arith.addf %mul3A_1084, %mul3A_1085 : vector<16xf32>
      %add3A_1087 = arith.constant 80 : i32
      %add3A_1088 = arith.addi %mul3A_46, %add3A_1087 : i32
      %swap3A_1089 = arith.index_cast %add3A_1088 : i32 to index
      %swap3A_1090 = tpu.vector_load %arg9[%swap3A_1089] {strides = array<i32>} : memref<4096xf32, #tpu.memory_space<vmem>>, vector<16xf32>,
      tpu.vector_store %arg9[%swap3A_1089], %add3A_1086 {strides = array<i32>} : memref<4096xf32, #tpu.memory_space<vmem>>, vector<16xf32>,
      %add3A_1091 = arith.constant 80 : i32
      %add3A_1092 = arith.addi %mul3A_52, %add3A_1091 : i32
      %get3A_1093 = arith.index_cast %add3A_1092 : i32 to index
      %get3A_1094 = tpu.vector_load %arg6[%get3A_1093] {strides = array<i32>} : memref<4096xf32, #tpu.memory_space<vmem>>, vector<16xf32>,
      %add3A_1095 = arith.constant 80 : i32
      %add3A_1096 = arith.addi %mul3A_52, %add3A_1095 : i32
      %get3A_1097 = arith.index_cast %add3A_1096 : i32 to index
      %get3A_1098 = tpu.vector_load %arg7[%get3A_1097] {strides = array<i32>} : memref<4096xf32, #tpu.memory_space<vmem>>, vector<16xf32>,
      %mul3A_1099 = arith.mulf %add3A_1053, %get3A_1094 : vector<16xf32>
      %mul3A_1100 = arith.mulf %add3A_1075, %get3A_1098 : vector<16xf32>
      %add3A_1101 = arith.addf %mul3A_1099, %mul3A_1100 : vector<16xf32>
      %add3A_1102 = arith.constant 80 : i32
      %add3A_1103 = arith.addi %mul3A_52, %add3A_1102 : i32
      %swap3A_1104 = arith.index_cast %add3A_1103 : i32 to index
      %swap3A_1105 = tpu.vector_load %arg9[%swap3A_1104] {strides = array<i32>} : memref<4096xf32, #tpu.memory_space<vmem>>, vector<16xf32>,
      tpu.vector_store %arg9[%swap3A_1104], %add3A_1101 {strides = array<i32>} : memref<4096xf32, #tpu.memory_space<vmem>>, vector<16xf32>,
      %add3A_1106 = arith.constant 96 : i32
      %add3A_1107 = vector.broadcast %add3A_1106 : i32 to vector<16xi32>
      %add3A_1108 = arith.addi %add3A_1107, %iota3A : vector<16xi32>
      %add3A_1109 = arith.addi %add3A_688, %add3A_1108 : vector<16xi32>
      %gather3A_1110 = tpu.vector_load_idx %arg8[%add3A_1109] : memref<4608xf32, #tpu.memory_space<vmem>>[vector<16xi32>], vector<16xf32>,
      %add3A_1111 = arith.addi %add3A_706, %add3A_1108 : vector<16xi32>
      %gather3A_1112 = tpu.vector_load_idx %arg8[%add3A_1111] : memref<4608xf32, #tpu.memory_space<vmem>>[vector<16xi32>], vector<16xf32>,
      %add3A_1113 = arith.addf %gather3A_1110, %gather3A_1112 : vector<16xf32>
      %add3A_1114 = arith.addi %add3A_697, %add3A_1108 : vector<16xi32>
      %gather3A_1115 = tpu.vector_load_idx %arg8[%add3A_1114] : memref<4608xf32, #tpu.memory_space<vmem>>[vector<16xi32>], vector<16xf32>,
      %add3A_1116 = arith.addi %add3A_715, %add3A_1108 : vector<16xi32>
      %gather3A_1117 = tpu.vector_load_idx %arg8[%add3A_1116] : memref<4608xf32, #tpu.memory_space<vmem>>[vector<16xi32>], vector<16xf32>,
      %add3A_1118 = arith.addf %gather3A_1115, %gather3A_1117 : vector<16xf32>
      %add3A_1119 = arith.constant 128 : i32
      %add3A_1120 = vector.broadcast %add3A_1119 : i32 to vector<16xi32>
      %add3A_1121 = arith.addi %add3A_688, %add3A_1120 : vector<16xi32>
      %add3A_1122 = arith.addi %add3A_1121, %add3A_1108 : vector<16xi32>
      %gather3A_1123 = tpu.vector_load_idx %arg8[%add3A_1122] : memref<4608xf32, #tpu.memory_space<vmem>>[vector<16xi32>], vector<16xf32>,
      %add3A_1124 = arith.constant 128 : i32
      %add3A_1125 = vector.broadcast %add3A_1124 : i32 to vector<16xi32>
      %add3A_1126 = arith.addi %add3A_706, %add3A_1125 : vector<16xi32>
      %add3A_1127 = arith.addi %add3A_1126, %add3A_1108 : vector<16xi32>
      %gather3A_1128 = tpu.vector_load_idx %arg8[%add3A_1127] : memref<4608xf32, #tpu.memory_space<vmem>>[vector<16xi32>], vector<16xf32>,
      %add3A_1129 = arith.addf %gather3A_1123, %gather3A_1128 : vector<16xf32>
      %add3A_1130 = arith.constant 128 : i32
      %add3A_1131 = vector.broadcast %add3A_1130 : i32 to vector<16xi32>
      %add3A_1132 = arith.addi %add3A_697, %add3A_1131 : vector<16xi32>
      %add3A_1133 = arith.addi %add3A_1132, %add3A_1108 : vector<16xi32>
      %gather3A_1134 = tpu.vector_load_idx %arg8[%add3A_1133] : memref<4608xf32, #tpu.memory_space<vmem>>[vector<16xi32>], vector<16xf32>,
      %add3A_1135 = arith.constant 128 : i32
      %add3A_1136 = vector.broadcast %add3A_1135 : i32 to vector<16xi32>
      %add3A_1137 = arith.addi %add3A_715, %add3A_1136 : vector<16xi32>
      %add3A_1138 = arith.addi %add3A_1137, %add3A_1108 : vector<16xi32>
      %gather3A_1139 = tpu.vector_load_idx %arg8[%add3A_1138] : memref<4608xf32, #tpu.memory_space<vmem>>[vector<16xi32>], vector<16xf32>,
      %add3A_1140 = arith.addf %gather3A_1134, %gather3A_1139 : vector<16xf32>
      %add3A_1141 = arith.constant 96 : i32
      %add3A_1142 = arith.addi %mul3A_46, %add3A_1141 : i32
      %get3A_1143 = arith.index_cast %add3A_1142 : i32 to index
      %get3A_1144 = tpu.vector_load %arg6[%get3A_1143] {strides = array<i32>} : memref<4096xf32, #tpu.memory_space<vmem>>, vector<16xf32>,
      %add3A_1145 = arith.constant 96 : i32
      %add3A_1146 = arith.addi %mul3A_46, %add3A_1145 : i32
      %get3A_1147 = arith.index_cast %add3A_1146 : i32 to index
      %get3A_1148 = tpu.vector_load %arg7[%get3A_1147] {strides = array<i32>} : memref<4096xf32, #tpu.memory_space<vmem>>, vector<16xf32>,
      %mul3A_1149 = arith.mulf %add3A_1113, %get3A_1144 : vector<16xf32>
      %mul3A_1150 = arith.mulf %add3A_1129, %get3A_1148 : vector<16xf32>
      %add3A_1151 = arith.addf %mul3A_1149, %mul3A_1150 : vector<16xf32>
      %add3A_1152 = arith.constant 96 : i32
      %add3A_1153 = arith.addi %mul3A_46, %add3A_1152 : i32
      %swap3A_1154 = arith.index_cast %add3A_1153 : i32 to index
      %swap3A_1155 = tpu.vector_load %arg9[%swap3A_1154] {strides = array<i32>} : memref<4096xf32, #tpu.memory_space<vmem>>, vector<16xf32>,
      tpu.vector_store %arg9[%swap3A_1154], %add3A_1151 {strides = array<i32>} : memref<4096xf32, #tpu.memory_space<vmem>>, vector<16xf32>,
      %add3A_1156 = arith.constant 96 : i32
      %add3A_1157 = arith.addi %mul3A_52, %add3A_1156 : i32
      %get3A_1158 = arith.index_cast %add3A_1157 : i32 to index
      %get3A_1159 = tpu.vector_load %arg6[%get3A_1158] {strides = array<i32>} : memref<4096xf32, #tpu.memory_space<vmem>>, vector<16xf32>,
      %add3A_1160 = arith.constant 96 : i32
      %add3A_1161 = arith.addi %mul3A_52, %add3A_1160 : i32
      %get3A_1162 = arith.index_cast %add3A_1161 : i32 to index
      %get3A_1163 = tpu.vector_load %arg7[%get3A_1162] {strides = array<i32>} : memref<4096xf32, #tpu.memory_space<vmem>>, vector<16xf32>,
      %mul3A_1164 = arith.mulf %add3A_1118, %get3A_1159 : vector<16xf32>
      %mul3A_1165 = arith.mulf %add3A_1140, %get3A_1163 : vector<16xf32>
      %add3A_1166 = arith.addf %mul3A_1164, %mul3A_1165 : vector<16xf32>
      %add3A_1167 = arith.constant 96 : i32
      %add3A_1168 = arith.addi %mul3A_52, %add3A_1167 : i32
      %swap3A_1169 = arith.index_cast %add3A_1168 : i32 to index
      %swap3A_1170 = tpu.vector_load %arg9[%swap3A_1169] {strides = array<i32>} : memref<4096xf32, #tpu.memory_space<vmem>>, vector<16xf32>,
      tpu.vector_store %arg9[%swap3A_1169], %add3A_1166 {strides = array<i32>} : memref<4096xf32, #tpu.memory_space<vmem>>, vector<16xf32>,
      %add3A_1171 = arith.constant 112 : i32
      %add3A_1172 = vector.broadcast %add3A_1171 : i32 to vector<16xi32>
      %add3A_1173 = arith.addi %add3A_1172, %iota3A : vector<16xi32>
      %add3A_1174 = arith.addi %add3A_688, %add3A_1173 : vector<16xi32>
      %gather3A_1175 = tpu.vector_load_idx %arg8[%add3A_1174] : memref<4608xf32, #tpu.memory_space<vmem>>[vector<16xi32>], vector<16xf32>,
      %add3A_1176 = arith.addi %add3A_706, %add3A_1173 : vector<16xi32>
      %gather3A_1177 = tpu.vector_load_idx %arg8[%add3A_1176] : memref<4608xf32, #tpu.memory_space<vmem>>[vector<16xi32>], vector<16xf32>,
      %add3A_1178 = arith.addf %gather3A_1175, %gather3A_1177 : vector<16xf32>
      %add3A_1179 = arith.addi %add3A_697, %add3A_1173 : vector<16xi32>
      %gather3A_1180 = tpu.vector_load_idx %arg8[%add3A_1179] : memref<4608xf32, #tpu.memory_space<vmem>>[vector<16xi32>], vector<16xf32>,
      %add3A_1181 = arith.addi %add3A_715, %add3A_1173 : vector<16xi32>
      %gather3A_1182 = tpu.vector_load_idx %arg8[%add3A_1181] : memref<4608xf32, #tpu.memory_space<vmem>>[vector<16xi32>], vector<16xf32>,
      %add3A_1183 = arith.addf %gather3A_1180, %gather3A_1182 : vector<16xf32>
      %add3A_1184 = arith.constant 128 : i32
      %add3A_1185 = vector.broadcast %add3A_1184 : i32 to vector<16xi32>
      %add3A_1186 = arith.addi %add3A_688, %add3A_1185 : vector<16xi32>
      %add3A_1187 = arith.addi %add3A_1186, %add3A_1173 : vector<16xi32>
      %gather3A_1188 = tpu.vector_load_idx %arg8[%add3A_1187] : memref<4608xf32, #tpu.memory_space<vmem>>[vector<16xi32>], vector<16xf32>,
      %add3A_1189 = arith.constant 128 : i32
      %add3A_1190 = vector.broadcast %add3A_1189 : i32 to vector<16xi32>
      %add3A_1191 = arith.addi %add3A_706, %add3A_1190 : vector<16xi32>
      %add3A_1192 = arith.addi %add3A_1191, %add3A_1173 : vector<16xi32>
      %gather3A_1193 = tpu.vector_load_idx %arg8[%add3A_1192] : memref<4608xf32, #tpu.memory_space<vmem>>[vector<16xi32>], vector<16xf32>,
      %add3A_1194 = arith.addf %gather3A_1188, %gather3A_1193 : vector<16xf32>
      %add3A_1195 = arith.constant 128 : i32
      %add3A_1196 = vector.broadcast %add3A_1195 : i32 to vector<16xi32>
      %add3A_1197 = arith.addi %add3A_697, %add3A_1196 : vector<16xi32>
      %add3A_1198 = arith.addi %add3A_1197, %add3A_1173 : vector<16xi32>
      %gather3A_1199 = tpu.vector_load_idx %arg8[%add3A_1198] : memref<4608xf32, #tpu.memory_space<vmem>>[vector<16xi32>], vector<16xf32>,
      %add3A_1200 = arith.constant 128 : i32
      %add3A_1201 = vector.broadcast %add3A_1200 : i32 to vector<16xi32>
      %add3A_1202 = arith.addi %add3A_715, %add3A_1201 : vector<16xi32>
      %add3A_1203 = arith.addi %add3A_1202, %add3A_1173 : vector<16xi32>
      %gather3A_1204 = tpu.vector_load_idx %arg8[%add3A_1203] : memref<4608xf32, #tpu.memory_space<vmem>>[vector<16xi32>], vector<16xf32>,
      %add3A_1205 = arith.addf %gather3A_1199, %gather3A_1204 : vector<16xf32>
      %add3A_1206 = arith.constant 112 : i32
      %add3A_1207 = arith.addi %mul3A_46, %add3A_1206 : i32
      %get3A_1208 = arith.index_cast %add3A_1207 : i32 to index
      %get3A_1209 = tpu.vector_load %arg6[%get3A_1208] {strides = array<i32>} : memref<4096xf32, #tpu.memory_space<vmem>>, vector<16xf32>,
      %add3A_1210 = arith.constant 112 : i32
      %add3A_1211 = arith.addi %mul3A_46, %add3A_1210 : i32
      %get3A_1212 = arith.index_cast %add3A_1211 : i32 to index
      %get3A_1213 = tpu.vector_load %arg7[%get3A_1212] {strides = array<i32>} : memref<4096xf32, #tpu.memory_space<vmem>>, vector<16xf32>,
      %mul3A_1214 = arith.mulf %add3A_1178, %get3A_1209 : vector<16xf32>
      %mul3A_1215 = arith.mulf %add3A_1194, %get3A_1213 : vector<16xf32>
      %add3A_1216 = arith.addf %mul3A_1214, %mul3A_1215 : vector<16xf32>
      %add3A_1217 = arith.constant 112 : i32
      %add3A_1218 = arith.addi %mul3A_46, %add3A_1217 : i32
      %swap3A_1219 = arith.index_cast %add3A_1218 : i32 to index
      %swap3A_1220 = tpu.vector_load %arg9[%swap3A_1219] {strides = array<i32>} : memref<4096xf32, #tpu.memory_space<vmem>>, vector<16xf32>,
      tpu.vector_store %arg9[%swap3A_1219], %add3A_1216 {strides = array<i32>} : memref<4096xf32, #tpu.memory_space<vmem>>, vector<16xf32>,
      %add3A_1221 = arith.constant 112 : i32
      %add3A_1222 = arith.addi %mul3A_52, %add3A_1221 : i32
      %get3A_1223 = arith.index_cast %add3A_1222 : i32 to index
      %get3A_1224 = tpu.vector_load %arg6[%get3A_1223] {strides = array<i32>} : memref<4096xf32, #tpu.memory_space<vmem>>, vector<16xf32>,
      %add3A_1225 = arith.constant 112 : i32
      %add3A_1226 = arith.addi %mul3A_52, %add3A_1225 : i32
      %get3A_1227 = arith.index_cast %add3A_1226 : i32 to index
      %get3A_1228 = tpu.vector_load %arg7[%get3A_1227] {strides = array<i32>} : memref<4096xf32, #tpu.memory_space<vmem>>, vector<16xf32>,
      %mul3A_1229 = arith.mulf %add3A_1183, %get3A_1224 : vector<16xf32>
      %mul3A_1230 = arith.mulf %add3A_1205, %get3A_1228 : vector<16xf32>
      %add3A_1231 = arith.addf %mul3A_1229, %mul3A_1230 : vector<16xf32>
      %add3A_1232 = arith.constant 112 : i32
      %add3A_1233 = arith.addi %mul3A_52, %add3A_1232 : i32
      %swap3A_1234 = arith.index_cast %add3A_1233 : i32 to index
      %swap3A_1235 = tpu.vector_load %arg9[%swap3A_1234] {strides = array<i32>} : memref<4096xf32, #tpu.memory_space<vmem>>, vector<16xf32>,
      tpu.vector_store %arg9[%swap3A_1234], %add3A_1231 {strides = array<i32>} : memref<4096xf32, #tpu.memory_space<vmem>>, vector<16xf32>,
    }
    %scan3A_39 = arith.constant 16 : i32
    "tpu.region"() ({
      %run_scoped3A = tpu.sem_alloc : memref<!tpu.dma_semaphore, #tpu.memory_space<semaphore_mem>>
      %dma_start3A_40 = tpu.memref_slice %arg5[%mul3A_2] : memref<131072xf32, #tpu.memory_space<hbm>> -> memref<4096xf32, #tpu.memory_space<hbm>>
      %dma_start3A_41 = tpu.memref_slice %arg5[%mul3A_2] : memref<131072xf32, #tpu.memory_space<hbm>> -> memref<4096xf32, #tpu.memory_space<hbm>>
      tpu.enqueue_dma source(%arg9 : memref<4096xf32, #tpu.memory_space<vmem>>) target(%dma_start3A_41 : memref<4096xf32, #tpu.memory_space<hbm>>) target_semaphore(%run_scoped3A : memref<!tpu.dma_semaphore, #tpu.memory_space<semaphore_mem>>)
      %dma_wait3A_42 = tpu.memref_slice %arg5[%mul3A_2] : memref<131072xf32, #tpu.memory_space<hbm>> -> memref<4096xf32, #tpu.memory_space<hbm>>
      %dma_wait3A_43 = tpu.memref_slice %arg5[%mul3A_2] : memref<131072xf32, #tpu.memory_space<hbm>> -> memref<4096xf32, #tpu.memory_space<hbm>>
      tpu.wait_dma2 semaphore(%run_scoped3A : memref<!tpu.dma_semaphore, #tpu.memory_space<semaphore_mem>>) src(%arg9 : memref<4096xf32, #tpu.memory_space<vmem>>) dst(%dma_wait3A_43 : memref<4096xf32, #tpu.memory_space<hbm>>)
      tpu.yield
    }) : () -> ()
    return
  }
}

module attributes {stable_mosaic.version = 14 : i64} {
  func.func @_prologue_body(%arg0: memref<128x128xf32, #tpu.memory_space<vmem>>, %arg1: memref<128x128xf32, #tpu.memory_space<vmem>>, %arg2: memref<16x128xf32, #tpu.memory_space<vmem>>, %arg3: memref<16x128xf32, #tpu.memory_space<vmem>>, %arg4: memref<128x128xf32, #tpu.memory_space<vmem>>, %arg5: memref<128x128xf32, #tpu.memory_space<vmem>>, %arg6: memref<36x128xf32, #tpu.memory_space<vmem>>) attributes {dimension_semantics = [], scalar_prefetch = 0 : i64, scratch_operands = 0 : i64, tpu.core_type = #tpu.core_type<tc>} {
    %get3A = arith.constant 0 : index
    %get3A_0 = arith.constant 0 : index
    %get3A_1 = vector.load %arg0[%get3A, %get3A_0] : memref<128x128xf32, #tpu.memory_space<vmem>>, vector<128x128xf32>
    %get3A_2 = arith.constant 0 : index
    %get3A_3 = arith.constant 0 : index
    %get3A_4 = vector.load %arg1[%get3A_2, %get3A_3] : memref<128x128xf32, #tpu.memory_space<vmem>>, vector<128x128xf32>
    %get3A_5 = arith.constant 0 : index
    %get3A_6 = arith.constant 0 : index
    %get3A_7 = vector.load %arg2[%get3A_5, %get3A_6] : memref<16x128xf32, #tpu.memory_space<vmem>>, vector<16x128xf32>
    %get3A_8 = arith.constant 0 : index
    %get3A_9 = arith.constant 0 : index
    %get3A_10 = vector.load %arg3[%get3A_8, %get3A_9] : memref<16x128xf32, #tpu.memory_space<vmem>>, vector<16x128xf32>
    %exp3A = math.exp %get3A_1 : vector<128x128xf32>
    %cos3A = math.cos %get3A_4 : vector<128x128xf32>
    %sin3A = math.sin %get3A_4 : vector<128x128xf32>
    %mul3A = arith.mulf %exp3A, %cos3A : vector<128x128xf32>
    %reduce_sum3A = vector.shape_cast %mul3A : vector<128x128xf32> to vector<1x128x128xf32>
    %reduce_sum3A_11 = arith.constant dense<0.000000e+00> : vector<1xf32>
    %reduce_sum3A_12 = vector.multi_reduction <add>, %reduce_sum3A, %reduce_sum3A_11 [1, 2] : vector<1x128x128xf32> to vector<1xf32>
    %reduce_sum3A_13 = vector.shape_cast %reduce_sum3A_12 : vector<1xf32> to vector<1x1x1xf32>
    %reduce_sum3A_14 = vector.extract %reduce_sum3A_13[0, 0, 0] : f32 from vector<1x1x1xf32>
    %mul3A_15 = arith.mulf %exp3A, %sin3A : vector<128x128xf32>
    %reduce_sum3A_16 = vector.shape_cast %mul3A_15 : vector<128x128xf32> to vector<1x128x128xf32>
    %reduce_sum3A_17 = arith.constant dense<0.000000e+00> : vector<1xf32>
    %reduce_sum3A_18 = vector.multi_reduction <add>, %reduce_sum3A_16, %reduce_sum3A_17 [1, 2] : vector<1x128x128xf32> to vector<1xf32>
    %reduce_sum3A_19 = vector.shape_cast %reduce_sum3A_18 : vector<1xf32> to vector<1x1x1xf32>
    %reduce_sum3A_20 = vector.extract %reduce_sum3A_19[0, 0, 0] : f32 from vector<1x1x1xf32>
    %slice3A = vector.extract_strided_slice %exp3A {offsets = [0, 0], sizes = [1, 128], strides = [1, 1]} : vector<128x128xf32> to vector<1x128xf32>
    %slice3A_21 = vector.extract_strided_slice %cos3A {offsets = [0, 0], sizes = [1, 128], strides = [1, 1]} : vector<128x128xf32> to vector<1x128xf32>
    %mul3A_22 = arith.mulf %slice3A, %slice3A_21 : vector<1x128xf32>
    %slice3A_23 = vector.extract_strided_slice %exp3A {offsets = [0, 0], sizes = [1, 128], strides = [1, 1]} : vector<128x128xf32> to vector<1x128xf32>
    %slice3A_24 = vector.extract_strided_slice %sin3A {offsets = [0, 0], sizes = [1, 128], strides = [1, 1]} : vector<128x128xf32> to vector<1x128xf32>
    %mul3A_25 = arith.mulf %slice3A_23, %slice3A_24 : vector<1x128xf32>
    %slice3A_26 = vector.extract_strided_slice %exp3A {offsets = [0, 0], sizes = [128, 1], strides = [1, 1]} : vector<128x128xf32> to vector<128x1xf32>
    %slice3A_27 = vector.extract_strided_slice %cos3A {offsets = [0, 0], sizes = [128, 1], strides = [1, 1]} : vector<128x128xf32> to vector<128x1xf32>
    %mul3A_28 = arith.mulf %slice3A_26, %slice3A_27 : vector<128x1xf32>
    %slice3A_29 = vector.extract_strided_slice %exp3A {offsets = [0, 0], sizes = [128, 1], strides = [1, 1]} : vector<128x128xf32> to vector<128x1xf32>
    %slice3A_30 = vector.extract_strided_slice %sin3A {offsets = [0, 0], sizes = [128, 1], strides = [1, 1]} : vector<128x128xf32> to vector<128x1xf32>
    %mul3A_31 = arith.mulf %slice3A_29, %slice3A_30 : vector<128x1xf32>
    %get3A_32 = arith.constant 0 : index
    %get3A_33 = arith.constant 0 : index
    %get3A_34 = vector.load %arg4[%get3A_32, %get3A_33] : memref<128x128xf32, #tpu.memory_space<vmem>>, vector<128x128xf32>
    %get3A_35 = arith.constant 0 : index
    %get3A_36 = arith.constant 0 : index
    %get3A_37 = vector.load %arg5[%get3A_35, %get3A_36] : memref<128x128xf32, #tpu.memory_space<vmem>>, vector<128x128xf32>
    %dot_general3A = arith.constant dense<0.000000e+00> : vector<1x128xf32>
    %dot_general3A_38 = tpu.matmul %mul3A_22, %get3A_34, %dot_general3A {dimension_numbers = #tpu.dot_dimension_numbers<[1], [0], [0], [1], [0, 0, 1, 1], [], []>, precision = #tpu.contract_precision<fp32>, transpose_lhs_hint = false} : vector<1x128xf32>, vector<128x128xf32>, vector<1x128xf32> -> vector<1x128xf32>
    %dot_general3A_39 = arith.constant dense<0.000000e+00> : vector<1x128xf32>
    %dot_general3A_40 = tpu.matmul %mul3A_25, %get3A_37, %dot_general3A_39 {dimension_numbers = #tpu.dot_dimension_numbers<[1], [0], [0], [1], [0, 0, 1, 1], [], []>, precision = #tpu.contract_precision<fp32>, transpose_lhs_hint = false} : vector<1x128xf32>, vector<128x128xf32>, vector<1x128xf32> -> vector<1x128xf32>
    %add3A = arith.addf %dot_general3A_38, %dot_general3A_40 : vector<1x128xf32>
    %dot_general3A_41 = arith.constant dense<0.000000e+00> : vector<1x128xf32>
    %dot_general3A_42 = tpu.matmul %mul3A_25, %get3A_34, %dot_general3A_41 {dimension_numbers = #tpu.dot_dimension_numbers<[1], [0], [0], [1], [0, 0, 1, 1], [], []>, precision = #tpu.contract_precision<fp32>, transpose_lhs_hint = false} : vector<1x128xf32>, vector<128x128xf32>, vector<1x128xf32> -> vector<1x128xf32>
    %dot_general3A_43 = arith.constant dense<0.000000e+00> : vector<1x128xf32>
    %dot_general3A_44 = tpu.matmul %mul3A_22, %get3A_37, %dot_general3A_43 {dimension_numbers = #tpu.dot_dimension_numbers<[1], [0], [0], [1], [0, 0, 1, 1], [], []>, precision = #tpu.contract_precision<fp32>, transpose_lhs_hint = false} : vector<1x128xf32>, vector<128x128xf32>, vector<1x128xf32> -> vector<1x128xf32>
    %sub3A = arith.subf %dot_general3A_42, %dot_general3A_44 : vector<1x128xf32>
    %dot_general3A_45 = arith.constant dense<0.000000e+00> : vector<1x128xf32>
    %dot_general3A_46 = tpu.matmul %mul3A_28, %get3A_34, %dot_general3A_45 {dimension_numbers = #tpu.dot_dimension_numbers<[0], [0], [1], [1], [0, 1, 1, 1], [], []>, precision = #tpu.contract_precision<fp32>, transpose_lhs_hint = false} : vector<128x1xf32>, vector<128x128xf32>, vector<1x128xf32> -> vector<1x128xf32>
    %dot_general3A_47 = arith.constant dense<0.000000e+00> : vector<1x128xf32>
    %dot_general3A_48 = tpu.matmul %mul3A_31, %get3A_37, %dot_general3A_47 {dimension_numbers = #tpu.dot_dimension_numbers<[0], [0], [1], [1], [0, 1, 1, 1], [], []>, precision = #tpu.contract_precision<fp32>, transpose_lhs_hint = false} : vector<128x1xf32>, vector<128x128xf32>, vector<1x128xf32> -> vector<1x128xf32>
    %add3A_49 = arith.addf %dot_general3A_46, %dot_general3A_48 : vector<1x128xf32>
    %dot_general3A_50 = arith.constant dense<0.000000e+00> : vector<1x128xf32>
    %dot_general3A_51 = tpu.matmul %mul3A_31, %get3A_34, %dot_general3A_50 {dimension_numbers = #tpu.dot_dimension_numbers<[0], [0], [1], [1], [0, 1, 1, 1], [], []>, precision = #tpu.contract_precision<fp32>, transpose_lhs_hint = false} : vector<128x1xf32>, vector<128x128xf32>, vector<1x128xf32> -> vector<1x128xf32>
    %dot_general3A_52 = arith.constant dense<0.000000e+00> : vector<1x128xf32>
    %dot_general3A_53 = tpu.matmul %mul3A_28, %get3A_37, %dot_general3A_52 {dimension_numbers = #tpu.dot_dimension_numbers<[0], [0], [1], [1], [0, 1, 1, 1], [], []>, precision = #tpu.contract_precision<fp32>, transpose_lhs_hint = false} : vector<128x1xf32>, vector<128x128xf32>, vector<1x128xf32> -> vector<1x128xf32>
    %sub3A_54 = arith.subf %dot_general3A_51, %dot_general3A_53 : vector<1x128xf32>
    %mul3A_55 = arith.mulf %reduce_sum3A_14, %reduce_sum3A_14 : f32
    %mul3A_56 = arith.mulf %reduce_sum3A_20, %reduce_sum3A_20 : f32
    %add3A_57 = arith.addf %mul3A_55, %mul3A_56 : f32
    %mul3A_58 = vector.broadcast %reduce_sum3A_14 : f32 to vector<1x128xf32>
    %mul3A_59 = arith.mulf %add3A, %mul3A_58 : vector<1x128xf32>
    %mul3A_60 = vector.broadcast %reduce_sum3A_20 : f32 to vector<1x128xf32>
    %mul3A_61 = arith.mulf %sub3A, %mul3A_60 : vector<1x128xf32>
    %add3A_62 = arith.addf %mul3A_59, %mul3A_61 : vector<1x128xf32>
    %div3A = vector.broadcast %add3A_57 : f32 to vector<1x128xf32>
    %div3A_63 = arith.divf %add3A_62, %div3A : vector<1x128xf32>
    %mul3A_64 = vector.broadcast %reduce_sum3A_14 : f32 to vector<1x128xf32>
    %mul3A_65 = arith.mulf %sub3A, %mul3A_64 : vector<1x128xf32>
    %mul3A_66 = vector.broadcast %reduce_sum3A_20 : f32 to vector<1x128xf32>
    %mul3A_67 = arith.mulf %add3A, %mul3A_66 : vector<1x128xf32>
    %sub3A_68 = arith.subf %mul3A_65, %mul3A_67 : vector<1x128xf32>
    %div3A_69 = vector.broadcast %add3A_57 : f32 to vector<1x128xf32>
    %div3A_70 = arith.divf %sub3A_68, %div3A_69 : vector<1x128xf32>
    %mul3A_71 = vector.broadcast %reduce_sum3A_14 : f32 to vector<1x128xf32>
    %mul3A_72 = arith.mulf %add3A_49, %mul3A_71 : vector<1x128xf32>
    %mul3A_73 = vector.broadcast %reduce_sum3A_20 : f32 to vector<1x128xf32>
    %mul3A_74 = arith.mulf %sub3A_54, %mul3A_73 : vector<1x128xf32>
    %add3A_75 = arith.addf %mul3A_72, %mul3A_74 : vector<1x128xf32>
    %div3A_76 = vector.broadcast %add3A_57 : f32 to vector<1x128xf32>
    %div3A_77 = arith.divf %add3A_75, %div3A_76 : vector<1x128xf32>
    %mul3A_78 = vector.broadcast %reduce_sum3A_14 : f32 to vector<1x128xf32>
    %mul3A_79 = arith.mulf %sub3A_54, %mul3A_78 : vector<1x128xf32>
    %mul3A_80 = vector.broadcast %reduce_sum3A_20 : f32 to vector<1x128xf32>
    %mul3A_81 = arith.mulf %add3A_49, %mul3A_80 : vector<1x128xf32>
    %sub3A_82 = arith.subf %mul3A_79, %mul3A_81 : vector<1x128xf32>
    %div3A_83 = vector.broadcast %add3A_57 : f32 to vector<1x128xf32>
    %div3A_84 = arith.divf %sub3A_82, %div3A_83 : vector<1x128xf32>
    %concatenate3A = tpu.concatenate %div3A_63, %div3A_70, %div3A_77, %div3A_84 in 0 : vector<1x128xf32>, vector<1x128xf32>, vector<1x128xf32>, vector<1x128xf32> -> vector<4x128xf32>
    %swap3A = arith.constant 0 : index
    %swap3A_85 = arith.constant 0 : index
    %swap3A_86 = vector.load %arg6[%swap3A, %swap3A_85] : memref<36x128xf32, #tpu.memory_space<vmem>>, vector<4x128xf32>
    tpu.vector_store %arg6[%swap3A, %swap3A_85], %concatenate3A {strides = array<i32>} : memref<36x128xf32, #tpu.memory_space<vmem>>, vector<4x128xf32>,
    %logistic3A = arith.negf %get3A_7 : vector<16x128xf32>
    %logistic3A_87 = math.exp %logistic3A : vector<16x128xf32>
    %logistic3A_88 = arith.constant 1.000000e+00 : f32
    %logistic3A_89 = vector.broadcast %logistic3A_88 : f32 to vector<16x128xf32>
    %logistic3A_90 = arith.addf %logistic3A_89, %logistic3A_87 : vector<16x128xf32>
    %logistic3A_91 = arith.divf %logistic3A_89, %logistic3A_90 : vector<16x128xf32>
    %mul3A_92 = arith.constant 5.000000e-01 : f32
    %mul3A_93 = vector.broadcast %mul3A_92 : f32 to vector<16x128xf32>
    %mul3A_94 = arith.mulf %mul3A_93, %logistic3A_91 : vector<16x128xf32>
    %swap3A_95 = arith.constant 4 : index
    %swap3A_96 = arith.constant 0 : index
    %swap3A_97 = vector.load %arg6[%swap3A_95, %swap3A_96] : memref<36x128xf32, #tpu.memory_space<vmem>>, vector<16x128xf32>
    tpu.vector_store %arg6[%swap3A_95, %swap3A_96], %mul3A_94 {strides = array<i32>} : memref<36x128xf32, #tpu.memory_space<vmem>>, vector<16x128xf32>,
    %logistic3A_98 = arith.negf %get3A_10 : vector<16x128xf32>
    %logistic3A_99 = math.exp %logistic3A_98 : vector<16x128xf32>
    %logistic3A_100 = arith.constant 1.000000e+00 : f32
    %logistic3A_101 = vector.broadcast %logistic3A_100 : f32 to vector<16x128xf32>
    %logistic3A_102 = arith.addf %logistic3A_101, %logistic3A_99 : vector<16x128xf32>
    %logistic3A_103 = arith.divf %logistic3A_101, %logistic3A_102 : vector<16x128xf32>
    %mul3A_104 = arith.constant 5.000000e-01 : f32
    %mul3A_105 = vector.broadcast %mul3A_104 : f32 to vector<16x128xf32>
    %mul3A_106 = arith.mulf %mul3A_105, %logistic3A_103 : vector<16x128xf32>
    %swap3A_107 = arith.constant 20 : index
    %swap3A_108 = arith.constant 0 : index
    %swap3A_109 = vector.load %arg6[%swap3A_107, %swap3A_108] : memref<36x128xf32, #tpu.memory_space<vmem>>, vector<16x128xf32>
    tpu.vector_store %arg6[%swap3A_107, %swap3A_108], %mul3A_106 {strides = array<i32>} : memref<36x128xf32, #tpu.memory_space<vmem>>, vector<16x128xf32>,
    return
  }
}

</mosaic_0001>

<sc_bundles>
// kernel: kernel.4.cloned.1.call-start
scs
__scs_entry_jumppad:
0x0: {  	(pc) =	sbr.rel $0x88, $3  }
0x1: {  	(tag) =	ssettag $0x0;
	lr =	simm.s32 $0x1  }
0x2: {  	[smem:$0x3F9D] =	sst lr;
	_ =	strace $0xD0000000  }
0x3: {  	_ = 	snop  }
0x4: {  	_ = 	snop  }
0x5: {  	_ = 	snop  }
0x6: {  	_ = 	snop  }
0x7: {  	_ = 	snop  }
__scs_overlays_trampoline_lowered:
0x8: {  	[smem:$0x3FAC] =	sst s0  }
0x9: {  	[smem:$0x3FAD] =	sst s1  }
0xa: {  	[smem:$0x3FAE] =	sst s2  }
0xb: {  	[smem:$0x3FAF] =	sst s3  }
0xc: {  	[smem:$0x3FB0] =	sst s4  }
0xd: {  	[smem:$0x3FB1] =	sst s5  }
0xe: {  	[smem:$0x3FB2] =	sst s6  }
0xf: {  	[smem:$0x3FB3] =	sst s7  }
0x10: {  	[smem:$0x3FB4] =	sst s8  }
0x11: {  	[smem:$0x3FB5] =	sst s9;
	s0 =	simm.s32 @!p0 $0x0  }
0x12: {  	s1 =	sld [smem:$0x3F9B];
	s0 =	simm.s32 @p0 $0x1  }
0x13: {  	[smem:$0x3FB6] =	sst s0;
	s0 =	simm.s32 @!p1 $0x0  }
0x14: {  	s2 =	sld [smem:$0x3F9A];
	s0 =	simm.s32 @p1 $0x1  }
0x15: {  	[smem:$0x3FB7] =	sst s0;
	s0 =	simm.s32 @!p2 $0x0  }
0x16: {  	s3 =	sld [smem:$0x3FDB];
	s0 =	simm.s32 @p2 $0x1  }
0x17: {  	s4 =	simm.s32 $0x1BF5;
	[smem:$0x3FB9] =	sst s0  }
0x18: {  	s0 =	sld [smem:$0x3F9C];
	_ =	swait.ge [sflag:s4], $0x0  }
0x19: {  	s7 =	sld [smem:$0x3F9D]  }
0x1a: {  	s8 =	sadd.s32 $0xFFFFE003, lr  }
0x1b: {  	s9 =	sadd.s32 $0xFFFFFEF7, lr;
	s5 =	simm.s32 $0xFFFFFFFF;
	p2 =	slt.u32 s8, $0xFFFFF086  }
0x1c: {  	p1 =	slt.u32 s9, $0xF7A;
	s5 =	simm.s32 @!p2 $0x0  }
0x1d: {  	s5 =	simm.s32 @p1 $0x1;
	p0 =	seq.s32 s7, s2  }
0x1e: {  	s7 =	smul.u32 @!p0 $0xF7A, s2;
	p2 =	seq.s32 @!p0 s5, $0x0  }
0x1f: {  	s9 =	smul.u32 $0xF7A, s1;
	s8 =	simm.s32 @!p0 $0x1BF5;
	p2 =	por !p2, p0  }
0x20: {  	[sflag:s8] =	ssyncset.s32 @!p0 $0xFFFFF086;
	s6 =	sadd.s32 @!p0 s3, s7;
	s7 =	simm.s32 @!p0 $0x108  }
0x21: {  	s3 =	sadd.s32 s3, s9;
	s6 =	sadd.s32 @!p0 $0x88, s6;
	s7 =	simm.s32 @p2 $0x1082  }
0x22: {  	[simem:s7], [sflag:s8] =	dma.local @!p0 [hbm:s6], $0xF7A  }
0x23: {  	s9 =	sor.u32 $0xD0000000, s2;
	s6 =	simm.s32 $0x108;
	_ =	swait.ge @!p0 [sflag:s8], $0x0  }
0x24: {  	s3 =	sadd.s32 $0x88, s3;
	s6 =	simm.s32 @!p1 $0x1082;
	[sflag:s4] =	ssyncset.s32 $0xFFFFF086  }
0x25: {  	[simem:s6], [sflag:s4] =	dma.local [hbm:s3], $0xF7A  }
0x26: {  	[smem:$0x3F9D] =	sst s1;
	(tag) =	ssettag s2;
	_ =	strace s9  }
0x27: {  	s1 =	sld [smem:$0x3FAD]  }
0x28: {  	s2 =	sld [smem:$0x3FAE]  }
0x29: {  	s4 =	sld [smem:$0x3FB0]  }
0x2a: {  	p0 =	seq.s32 s5, $0x0;
	s5 =	sld [smem:$0x3FB1]  }
0x2b: {  	s6 =	sld [smem:$0x3FB2]  }
0x2c: {  	s7 =	sld [smem:$0x3FB3]  }
0x2d: {  	s3 =	simm.s32 $0x108;
	s8 =	sld [smem:$0x3FB4]  }
0x2e: {  	s3 =	simm.s32 @!p0 $0x1082;
	s9 =	sld [smem:$0x3FB5]  }
0x2f: {  	lr =	sadd.s32 s0, s3;
	s0 =	sld [smem:$0x3FAC]  }
0x30: {  	s3 =	sld [smem:$0x3FAF]  }
0x31: {  	[smem:$0x3FB8] =	sst s10  }
0x32: {  	s10 =	sld [smem:$0x3FB6];
	_ =	sdelay $0x3  }
0x33: {  	p0 =	seq.s32 s10, $0x1;
	s10 =	sld [smem:$0x3FB8];
	_ =	sdelay $0x3  }
0x34: {  	[smem:$0x3FB8] =	sst s10  }
0x35: {  	s10 =	sld [smem:$0x3FB7];
	_ =	sdelay $0x3  }
0x36: {  	p1 =	seq.s32 s10, $0x1;
	s10 =	sld [smem:$0x3FB8];
	_ =	sdelay $0x3  }
0x37: {  	[smem:$0x3FB8] =	sst s10  }
0x38: {  	s10 =	sld [smem:$0x3FB9]  }
0x39: {  	_ = 	snop;
	(pc) =	sbr.ind lr, $3  }
0x3a: {  	_ = 	snop  }
0x3b: {  	_ = 	snop  }
0x3c: {  	p2 =	seq.s32 s10, $0x1;
	s10 =	sld [smem:$0x3FB8]  }
0x3d: {  	_ =	shalt  }
0x3e: {  	_ =	shalt  }
0x3f: {  	_ =	shalt  }
0x40: {  	_ =	shalt  }
0x41: {  	_ =	shalt  }
0x42: {  	_ =	shalt  }
0x43: {  	_ =	shalt  }
0x44: {  	_ =	shalt  }
0x45: {  	_ =	shalt  }
0x46: {  	_ =	shalt  }
0x47: {  	_ =	shalt  }
0x48: {  	_ =	shalt  }
0x49: {  	_ =	shalt  }
0x4a: {  	_ =	shalt  }
0x4b: {  	_ =	shalt  }
0x4c: {  	_ =	shalt  }
0x4d: {  	_ =	shalt  }
0x4e: {  	_ =	shalt  }
0x4f: {  	_ =	shalt  }
0x50: {  	_ =	shalt  }
0x51: {  	_ =	shalt  }
0x52: {  	_ =	shalt  }
0x53: {  	_ =	shalt  }
0x54: {  	_ =	shalt  }
0x55: {  	_ =	shalt  }
0x56: {  	_ =	shalt  }
0x57: {  	_ =	shalt  }
0x58: {  	_ =	shalt  }
0x59: {  	_ =	shalt  }
0x5a: {  	_ =	shalt  }
0x5b: {  	_ =	shalt  }
0x5c: {  	_ =	shalt  }
0x5d: {  	_ =	shalt  }
0x5e: {  	_ =	shalt  }
0x5f: {  	_ =	shalt  }
0x60: {  	_ =	shalt  }
0x61: {  	_ =	shalt  }
0x62: {  	_ =	shalt  }
0x63: {  	_ =	shalt  }
0x64: {  	_ =	shalt  }
0x65: {  	_ =	shalt  }
0x66: {  	_ =	shalt  }
0x67: {  	_ =	shalt  }
0x68: {  	_ =	shalt  }
0x69: {  	_ =	shalt  }
0x6a: {  	_ =	shalt  }
0x6b: {  	_ =	shalt  }
0x6c: {  	_ =	shalt  }
0x6d: {  	_ =	shalt  }
0x6e: {  	_ =	shalt  }
0x6f: {  	_ =	shalt  }
0x70: {  	_ =	shalt  }
0x71: {  	_ =	shalt  }
0x72: {  	_ =	shalt  }
0x73: {  	_ =	shalt  }
0x74: {  	_ =	shalt  }
0x75: {  	_ =	shalt  }
0x76: {  	_ =	shalt  }
0x77: {  	_ =	shalt  }
0x78: {  	_ =	shalt  }
0x79: {  	_ =	shalt  }
0x7a: {  	_ =	shalt  }
0x7b: {  	_ =	shalt  }
0x7c: {  	_ =	shalt  }
0x7d: {  	_ =	shalt  }
0x7e: {  	_ =	shalt  }
0x7f: {  	_ =	shalt  }
0x80: {  	_ =	shalt  }
0x81: {  	_ =	shalt  }
0x82: {  	_ =	shalt  }
0x83: {  	_ =	shalt  }
0x84: {  	_ =	shalt  }
0x85: {  	_ =	shalt  }
0x86: {  	_ =	shalt  }
0x87: {  	_ =	shalt  }
.Lfunc_end0:
.L_simem_size_0:
called_computation_lowered:
.L_overlay_start_0:
0x88: {  	s2 =	sld [smem:$0x3FD9]  }
0x89: {  	s3 =	sld [smem:$0x3FFE];
	_ =	sdelay $0x1  }
0x8a: {  	s1 =	srdreg.scid  }
0x8b: {  	s0 =	sand.u32 $0x1, s1  }
0x8c: {  	s17 =	sshll.u32 s0, $0xA;
	s2 =	sadd.s32 s3, s2  }
0x8d: {  	s2 =	sadd.s32 s2, s17  }
0x8e: {  	[smem:$0x3FC4] =	sst s2  }
0x8f: {  	_ = 	snop  }
0x90: {  	s2 =	sld [smem:$0x3FC9]  }
0x91: {  	s18 =	sld [smem:$0x3FC8]  }
0x92: {  	s4 =	sld [smem:$0x3FD0];
	(tm) =	ssettm $0x1  }
0x93: {  	s5 =	sld [smem:$0x3FFB];
	_ =	sdelay $0x3  }
0x94: {  	_ =	strace s5  }
0x95: {  	s5 =	sld [smem:$0x3FFC];
	_ =	sdelay $0x3  }
0x96: {  	_ =	strace s5  }
0x97: {  	s5 =	sld [smem:$0x3FFD];
	_ =	sdelay $0x3  }
0x98: {  	_ =	strace s5  }
0x99: {  	_ =	strace $0x8FFFFFFF  }
0x9a: {  	s19 =	sld [smem:$0x3FDB];
	_ =	sdelay $0x1  }
0x9b: {  	s6 =	simm.s32 $_scs_section_size  }
0x9c: {  	s7 =	simm.s32 $_size__tile_overlayer_lowered;
	s8 =	simm.s32 $_tile_overlayer_lowered  }
0x9d: {  	s22 =	simm.s32 $0x1BFF;
	s21 =	sshll.u32 s8, $0x1;
	s5 =	sadd.s32 s6, s19  }
0x9e: {  	s9 =	simm.s32 $0x0;
	s20 =	sshll.u32 s7, $0x1;
	s7 =	sadd.s32 s21, s5  }
0x9f: {  	[timem:s9], [sflag:s22] =	dma.local [hbm:s7], s20  }
0xa0: {  	_ =	swait.ge [sflag:s22], s20  }
0xa1: {  	s6 =	ssub.s32 $0x0, s20;
	[sflag:s22] =	ssyncset.done $0x0  }
0xa2: {  	[sflag:s22] =	ssyncadd.s32 s6;
	_ =	sdelay $0x1  }
0xa3: {  	s23 =	simm.s32 $0x1B8B  }
0xa4: {  	_ =	swait.ge [sflag:s23], $0x1  }
0xa5: {  	[sflag:s23] =	ssyncset.done $0x0  }
0xa6: {  	s25 =	simm.s32 $0x1B8E;
	s24 =	sld [smem:$0x3FFE];
	[sflag:s23] =	ssyncadd.s32 $0xFFFFFFFF  }
0xa7: {  	s26 =	simm.s32 $execute0_lowered;
	[smem:$0x3FD2] =	sst s25  }
0xa8: {  	s7 =	sshll.u32 s26, $0x1;
	_ =	strace $0x80000046;
	[dreg:$0x1] =	wrdreg $0xFFFFFFFF  }
0xa9: {  	s28 =	simm.s32 $_size_execute0_lowered;
	s5 =	sadd.s32 s5, s7;
	[dreg:$0x0] =	wrdreg $0x0  }
0xaa: {  	s7 =	sshll.u32 s28, $0x1;
	[dreg:$0x2] =	wrdreg s5  }
0xab: {  	[dreg:$0x3] =	wrdreg s7  }
0xac: {  	[dreg:$0x4] =	wrdreg $0xC0  }
0xad: {  	_ =	task [dreg:s9], $0x5FFFF  }
0xae: {  	[dreg:$0x1] =	wrdreg $0xFFFFFFFF  }
0xaf: {  	[dreg:$0x0] =	wrdreg $0x60  }
0xb0: {  	[dreg:$0x2] =	wrdreg s2  }
0xb1: {  	[dreg:$0x3] =	wrdreg s18  }
0xb2: {  	[dreg:$0x4] =	wrdreg s24  }
0xb3: {  	[dreg:$0x5] =	wrdreg s4  }
0xb4: {  	[dreg:$0x6] =	wrdreg $0x9  }
0xb5: {  	_ =	task.clear_ibuf [dreg:s9], $0x7FFFF;
	_ =	strace $0x90000046  }
0xb6: {  	s29 =	simm.s32 $0x9;
	_ =	strace $0x80000048  }
0xb7: {  	_ =	swait.ge [sflag:s29], $0x1  }
0xb8: {  	[sflag:s29] =	ssyncadd.s32 $0xFFFFFFFF  }
0xb9: {  	_ =	strace $0x90000048  }
0xba: {  	_ =	sfence  }
0xbb: {  	s30 =	sld [smem:$0x0];
	_ =	sdelay $0x2  }
0xbc: {  	s31 =	sshll.u32 s1, $0xD;
	s1 =	sshrl.u32 s1, $0x2  }
0xbd: {  	s3 =	sand.u32 $0x4000, s31;
	s1 =	sadd.s32 s1, s30  }
0xbe: {  	s0 =	sor.u32 s3, s0;
	s1 =	sshll.u32 s1, $0x11  }
0xbf: {  	s0 =	sor.u32 s1, s0  }
0xc0: {  	s0 =	sadd.s32 $0x8F2B, s0  }
0xc1: {  	[sflag:s0] =	ssyncadd.remote.s32 $0x1  }
0xc2: {  	_ =	sfence.sel $0xFFFF  }
0xc3: {  	[dreg:$0x0] =	wrdreg $0xFFFFFFFF;
	(pc) =	sbr.abs _section_cstart, $3  }
0xc4: {  	[dreg:$0x1] =	wrdreg $0xFFFFFFFF  }
0xc5: {  	_ =	task.clear_ibuf [dreg:s9], $0x2FFFF;
	_ =	strace $0x9FFFFFFF  }
0xc6: {  	(tm) =	ssettm $0x7FFFFFFF  }
0xc7: {  	_ =	shalt  }
tec
execute0_lowered:
.L_overlay_start_1:
0x0: {  	(tag) =	ssettag $0x1  }
0x1: {  	v0 =	vlaneseq.u32;
	vm0 =	vmmov $0xff  }
0x2: {  	v1 =	vand.u32 $0x7, v0;
	v26 =	vor.u32 $0x200, v0;
	v60 =	vor.u32 $0x280, v0  }
0x3: {  	v61 =	vor.u32 $0x210, v0;
	v39 =	vor.u32 $0x10, v0;
	v62 =	vor.u32 $0x290, v0  }
0x4: {  	s4 =	rddreg [dreg:$0x0];
	v36 =	vor.u32 $0x220, v0;
	v42 =	vor.u32 $0x20, v0;
	v37 =	vor.u32 $0x2A0, v0  }
0x5: {  	s5 =	rddreg [dreg:$0x1];
	v38 =	vor.u32 $0x230, v0;
	v45 =	vor.u32 $0x30, v0;
	v40 =	vor.u32 $0x2B0, v0  }
0x6: {  	s3 =	rddreg [dreg:$0x2];
	v41 =	vor.u32 $0x240, v0;
	v48 =	vor.u32 $0x40, v0;
	v43 =	vor.u32 $0x2C0, v0  }
0x7: {  	s6 =	rddreg [dreg:$0x3];
	v59 =	vor.u32 $0x250, v0;
	v51 =	vor.u32 $0x50, v0;
	v1 =	vmul.u32 $0x100, v1  }
0x8: {  	s0 =	rddreg [dreg:$0x4];
	s1 =	simm.s32 $0x0;
	s7 =	srdreg.scid;
	v46 =	vor.u32 $0x2D0, v0;
	v47 =	vor.u32 $0x260, v0;
	v54 =	vor.u32 $0x60, v0  }
0x9: {  	s2 =	stileid.u32;
	s11 =	simm.s32 $0x4200;
	s12 =	simm.s32 $0x4400;
	v49 =	vor.u32 $0x2E0, v0;
	v23 =	vor.u32 $0x270, v0;
	v2 =	vadd.s32 $0x200, v1  }
0xa: {  	s13 =	simm.s32 $0x4480;
	s14 =	simm.s32 $0x3200;
	s15 =	simm.s32 $0x2;
	v57 =	vor.u32 $0x70, v0;
	v3 =	vadd.s32 $0x280, v1;
	[tilespmem:$0x1FFA0] =	vst v2;
	v2 =	vmul.u32 $0x10, v0  }
0xb: {  	s16 =	simm.s32 $0x0;
	[smem:$0x7FF] =	sst s1;
	s7 =	sand.u32 $0x1, s7;
	v24 =	vor.u32 $0x2F0, v0;
	[tilespmem:$0x1FFB0] =	vst v3;
	v3 =	vadd.s32 $0xA00, v1;
	v1 =	vadd.s32 $0xA80, v1  }
0xc: {  	s9 =	sshll.u32 s2, $0x9;
	s8 =	ssub.s32 $0x2, s7;
	s7 =	sshll.u32 s7, $0xD;
	v27 =	vor.u32 $0x1, v2;
	v13 =	vor.u32 $0x2, v2;
	v14 =	vor.u32 $0x3, v2  }
0xd: {  	s3 =	sadd.s32 $0xE00, s3;
	s10 =	sshrl.u32 s8, $0x1;
	s7 =	sor.u32 s9, s7;
	[tilespmem:$0x1FFC0] =	vst v3;
	v15 =	vor.u32 $0x4, v2;
	v16 =	vor.u32 $0x5, v2;
	v17 =	vor.u32 $0x6, v2  }
0xe: {  	s9 =	simm.s32 $0x2000;
	s8 =	ssub.s32 s8, s10;
	s4 =	sadd.s32 s4, s7;
	[tilespmem:$0x1FFD0] =	vst v1;
	v18 =	vor.u32 $0x7, v2;
	v19 =	vor.u32 $0x8, v2;
	v20 =	vor.u32 $0x9, v2  }
0xf: {  	s5 =	sadd.s32 s5, s7;
	s6 =	sadd.s32 s6, s7;
	v21 =	vor.u32 $0xA, v2;
	v28 =	vor.u32 $0xB, v2;
	v29 =	vor.u32 $0xC, v2;
	_ =	strace $0x80000047;
	[tilespmem:$0x1FFE0] =	vst v23  }
0x10: {  	s10 =	simm.s32 $0x1;
	s7 =	smax.u32 s8, $0x1;
	s8 =	simm.s32 $0x1000;
	v30 =	vor.u32 $0xD, v2;
	v56 =	vor.u32 $0xE, v2;
	v58 =	vor.u32 $0xF, v2;
	[tilespmem:$0x1FFF0] =	vst v24  }
.LBB2_1:
0x11: {  	[tilespmem:s1], [sflag:$0x1] =	stream.linear.gather [hbm4b:s4+s1], $0x1000, $0x38;
	[tilespmem:$0x4500] =	vst v63  }
0x12: {  	_ = 	snop  }
0x13: {  	[tilespmem:s8], [sflag:$0x1] =	stream.linear.gather [hbm4b:s5+s1], $0x1000, $0x38;
	[tilespmem:$0x4500] =	vst v63  }
0x14: {  	_ = 	snop  }
0x15: {  	[tilespmem:s9], [sflag:$0x1] =	stream.linear.gather [hbm4b:s3+s1], $0x1200, $0x38;
	[tilespmem:$0x4500] =	vst v63  }
0x16: {  	_ =	swait.ge [sflag:s10], $0x1000  }
0x17: {  	[sflag:s10] =	ssyncset.done $0x0  }
0x18: {  	[sflag:s10] =	ssyncadd.s32 $0xFFFFF000  }
0x19: {  	_ =	swait.ge [sflag:s10], $0x1000  }
0x1a: {  	[sflag:s10] =	ssyncset.done $0x0  }
0x1b: {  	[sflag:s10] =	ssyncadd.s32 $0xFFFFF000  }
0x1c: {  	_ =	swait.ge [sflag:s10], $0x1200  }
0x1d: {  	v1 =	vld [tilespmem:$0x1FFA0];
	_ =	sdelay $0x5  }
0x1e: {  	[sflag:s10] =	ssyncset.done $0x0  }
0x1f: {  	[sflag:s10] =	ssyncadd.s32 $0xFFFFEE00  }
0x20: {  	v1 =	vld.idx.msk [tilespmem:v1+s9+$0x0], $0xffff;
	_ =	sdelay $0x4  }
0x21: {  	[tilespmem:$0x1FF60] =	vst v1;
	v1 =	vld [tilespmem:$0x1FFB0];
	_ =	sdelay $0x7  }
0x22: {  	v1 =	vld.idx.msk [tilespmem:v1+s9+$0x0], $0xffff;
	_ =	sdelay $0x4  }
0x23: {  	[tilespmem:$0x1FF70] =	vst v1;
	v1 =	vld [tilespmem:$0x1FFC0];
	_ =	sdelay $0x7  }
0x24: {  	v1 =	vld.idx.msk [tilespmem:v1+s9+$0x0], $0xffff;
	_ =	sdelay $0x4  }
0x25: {  	[tilespmem:$0x1FF80] =	vst v1;
	v1 =	vld [tilespmem:$0x1FFD0];
	_ =	sdelay $0x7  }
0x26: {  	v1 =	vld.idx.msk [tilespmem:v1+s9+$0x0], $0xffff;
	_ =	sdelay $0x4  }
0x27: {  	s17 =	simm.s32 $0x0;
	[tilespmem:$0x1FF90] =	vst v1  }
.LBB2_2:
0x28: {  	v63 =	vld [tilespmem:$0x2000]  }
0x29: {  	v5 =	vld [tilespmem:$0x2080]  }
0x2a: {  	v22 =	vld [tilespmem:$0x2100]  }
0x2b: {  	v23 =	vld [tilespmem:$0x2180]  }
0x2c: {  	v32 =	vld [tilespmem:$0x2010]  }
0x2d: {  	s18 =	sshra.s32 s17, $0x2;
	v33 =	vld [tilespmem:$0x2090]  }
0x2e: {  	v1 =	vld [tilespmem:s18+$0x0]  }
0x2f: {  	v4 =	vld [tilespmem:s18+$0x1000]  }
0x30: {  	v3 =	vld [tilespmem:s18+$0x80]  }
0x31: {  	v24 =	vld [tilespmem:s18+$0x1080]  }
0x32: {  	v50 =	vmovc v21;
	v21 =	vmovc v20;
	v20 =	vmov v19;
	v19 =	vmov v18;
	v18 =	vmov v17;
	v34 =	vld [tilespmem:$0x2110]  }
0x33: {  	v17 =	vmovc v16;
	v16 =	vmovc v15;
	v15 =	vmov v2;
	v2 =	vmov v14;
	v14 =	vmov v13;
	v6 =	vld [tilespmem:$0x2190]  }
0x34: {  	v13 =	vmovc v27;
	v52 =	vmovc v28;
	v55 =	vmov v30;
	v30 =	vld [tilespmem:s18+$0x1010];
	v27 =	vadd.f32 $0.0e+00, v1;
	v28 =	vmul.f32 v63, v4  }
0x35: {  	v53 =	vmovc v29;
	v25 =	vld [tilespmem:s18+$0x10];
	v29 =	vmul.f32 v5, v4;
	v4 =	vadd.f32 $0.0e+00, v4;
	v31 =	vmul.f32 v22, v1  }
0x36: {  	v12 =	vld [tilespmem:$0x2020];
	v1 =	vmul.f32 v23, v1;
	v35 =	vadd.f32 $0.0e+00, v3;
	v63 =	vmul.f32 v63, v24  }
0x37: {  	v44 =	vmovc v26;
	v26 =	vld [tilespmem:s18+$0x90];
	v5 =	vmul.f32 v5, v24;
	v24 =	vadd.f32 $0.0e+00, v24;
	v22 =	vmul.f32 v22, v3  }
0x38: {  	v7 =	vld [tilespmem:s18+$0x20];
	v3 =	vmul.f32 v23, v3;
	v28 =	vadd.f32 $0.0e+00, v28;
	v29 =	vadd.f32 $0.0e+00, v29  }
0x39: {  	v8 =	vld [tilespmem:s18+$0xA0];
	v9 =	vmul.f32 v32, v30;
	v31 =	vadd.f32 $0.0e+00, v31;
	v1 =	vadd.f32 $0.0e+00, v1  }
0x3a: {  	v23 =	vld [tilespmem:s18+$0x1090];
	v10 =	vmul.f32 v33, v30;
	v5 =	vadd.f32 $0.0e+00, v5;
	v27 =	vadd.f32 v25, v27  }
0x3b: {  	v11 =	vld [tilespmem:s18+$0x1020];
	v4 =	vadd.f32 v30, v4;
	v30 =	vmul.f32 v34, v25;
	v25 =	vmul.f32 v6, v25  }
0x3c: {  	v3 =	vadd.f32 $0.0e+00, v3;
	v6 =	vmul.f32 v6, v26;
	v9 =	vadd.f32 v9, v28;
	v28 =	vld [tilespmem:$0x20A0]  }
0x3d: {  	v10 =	vadd.f32 v10, v29;
	v1 =	vadd.f32 v25, v1;
	v25 =	vld [tilespmem:$0x2120]  }
0x3e: {  	v29 =	vadd.f32 v30, v31;
	v3 =	vadd.f32 v6, v3;
	v6 =	vld [tilespmem:s18+$0xB0]  }
0x3f: {  	v30 =	vadd.f32 v26, v35;
	v35 =	vld [tilespmem:s18+$0x1030];
	v31 =	vmul.f32 v32, v23;
	v32 =	vmul.f32 v33, v23  }
0x40: {  	v22 =	vadd.f32 $0.0e+00, v22;
	v23 =	vadd.f32 v23, v24;
	v24 =	vmul.f32 v34, v26;
	v26 =	vld [tilespmem:s18+$0x10A0]  }
0x41: {  	v63 =	vadd.f32 $0.0e+00, v63;
	v33 =	vld [tilespmem:$0x21A0];
	v5 =	vadd.f32 v32, v5  }
0x42: {  	v32 =	vld [tilespmem:s18+$0x30];
	v22 =	vadd.f32 v24, v22;
	v24 =	vadd.f32 v7, v27;
	v27 =	vmul.f32 v12, v11  }
0x43: {  	v4 =	vadd.f32 v11, v4;
	v31 =	vadd.f32 v31, v63;
	v63 =	vld [tilespmem:$0x2030]  }
0x44: {  	v34 =	vmul.f32 v28, v11;
	v11 =	vmul.f32 v25, v7;
	v9 =	vadd.f32 v27, v9;
	v27 =	vld [tilespmem:$0x20B0]  }
0x45: {  	v12 =	vmul.f32 v12, v26;
	v28 =	vmul.f32 v28, v26;
	v23 =	vadd.f32 v26, v23;
	v26 =	vld [tilespmem:s18+$0x10B0]  }
0x46: {  	v7 =	vmul.f32 v33, v7;
	v11 =	vadd.f32 v11, v29;
	v29 =	vadd.f32 v8, v30;
	v30 =	vld [tilespmem:$0x21B0]  }
0x47: {  	v25 =	vmul.f32 v25, v8;
	v8 =	vmul.f32 v33, v8;
	v33 =	vld [tilespmem:s18+$0x1040]  }
0x48: {  	v1 =	vadd.f32 v7, v1;
	v7 =	vld [tilespmem:$0x2130]  }
0x49: {  	v4 =	vadd.f32 v35, v4;
	v5 =	vadd.f32 v28, v5;
	v28 =	vld [tilespmem:s18+$0x40]  }
0x4a: {  	v22 =	vadd.f32 v25, v22;
	v25 =	vmul.f32 v63, v35;
	v3 =	vadd.f32 v8, v3;
	v8 =	vld [tilespmem:s18+$0xC0]  }
0x4b: {  	v10 =	vadd.f32 v34, v10;
	v12 =	vadd.f32 v12, v31;
	v31 =	vmul.f32 v27, v35;
	v35 =	vld [tilespmem:$0x2040]  }
0x4c: {  	v24 =	vadd.f32 v32, v24;
	v9 =	vadd.f32 v25, v9;
	v25 =	vld [tilespmem:$0x20C0]  }
0x4d: {  	v63 =	vmul.f32 v63, v26;
	v27 =	vmul.f32 v27, v26;
	v23 =	vadd.f32 v26, v23;
	v26 =	vld [tilespmem:s18+$0x10C0]  }
0x4e: {  	v29 =	vadd.f32 v6, v29;
	v10 =	vadd.f32 v31, v10;
	v31 =	vld [tilespmem:$0x2140]  }
0x4f: {  	v34 =	vmul.f32 v7, v32;
	v7 =	vmul.f32 v7, v6;
	v5 =	vadd.f32 v27, v5;
	v27 =	vld [tilespmem:s18+$0x50]  }
0x50: {  	v4 =	vadd.f32 v33, v4;
	v6 =	vmul.f32 v30, v6;
	v12 =	vadd.f32 v63, v12;
	v63 =	vld [tilespmem:$0x2050]  }
0x51: {  	v32 =	vmul.f32 v30, v32;
	v11 =	vadd.f32 v34, v11;
	v34 =	vld [tilespmem:$0x21C0];
	v7 =	vadd.f32 v7, v22  }
0x52: {  	v3 =	vadd.f32 v6, v3;
	v6 =	vld [tilespmem:s18+$0xD0];
	v22 =	vadd.f32 v28, v24;
	v24 =	vmul.f32 v35, v33  }
0x53: {  	v1 =	vadd.f32 v32, v1;
	v30 =	vmul.f32 v25, v33;
	v32 =	vld [tilespmem:s18+$0x1050];
	v25 =	vmul.f32 v25, v26  }
0x54: {  	v23 =	vadd.f32 v26, v23;
	v33 =	vmul.f32 v31, v28;
	v9 =	vadd.f32 v24, v9;
	v24 =	vld [tilespmem:$0x20D0]  }
0x55: {  	v10 =	vadd.f32 v30, v10;
	v30 =	vmul.f32 v35, v26;
	v26 =	vmul.f32 v31, v8;
	v31 =	vld [tilespmem:s18+$0x10D0]  }
0x56: {  	v35 =	vld [tilespmem:$0x2060];
	v28 =	vmul.f32 v34, v28  }
0x57: {  	v5 =	vadd.f32 v25, v5;
	v25 =	vld [tilespmem:s18+$0x60]  }
0x58: {  	v1 =	vadd.f32 v28, v1;
	v28 =	vld [tilespmem:$0x2150]  }
0x59: {  	v29 =	vadd.f32 v8, v29;
	v11 =	vadd.f32 v33, v11;
	v33 =	vld [tilespmem:$0x21D0];
	v8 =	vmul.f32 v34, v8  }
0x5a: {  	v22 =	vadd.f32 v27, v22;
	v7 =	vadd.f32 v26, v7;
	v26 =	vmul.f32 v63, v32;
	v34 =	vld [tilespmem:s18+$0x1060]  }
0x5b: {  	v12 =	vadd.f32 v30, v12;
	v3 =	vadd.f32 v8, v3;
	v8 =	vld [tilespmem:s18+$0xE0];
	v30 =	vmul.f32 v24, v32  }
0x5c: {  	v4 =	vadd.f32 v32, v4;
	v9 =	vadd.f32 v26, v9;
	v26 =	vld [tilespmem:$0x20E0];
	v24 =	vmul.f32 v24, v31  }
0x5d: {  	v29 =	vadd.f32 v6, v29;
	v10 =	vadd.f32 v30, v10;
	v30 =	vld [tilespmem:$0x2160];
	v32 =	vmul.f32 v28, v27  }
0x5e: {  	v5 =	vadd.f32 v24, v5;
	v24 =	vld [tilespmem:s18+$0xF0];
	v27 =	vmul.f32 v33, v27;
	v28 =	vmul.f32 v28, v6  }
0x5f: {  	v23 =	vadd.f32 v31, v23;
	v6 =	vmul.f32 v33, v6;
	v11 =	vadd.f32 v32, v11;
	v32 =	vld [tilespmem:s18+$0x10E0]  }
0x60: {  	v1 =	vadd.f32 v27, v1;
	v27 =	vmul.f32 v63, v31;
	v7 =	vadd.f32 v28, v7;
	v31 =	vld [tilespmem:s18+$0x1070]  }
0x61: {  	v3 =	vadd.f32 v6, v3;
	v6 =	vmul.f32 v35, v34;
	v28 =	vmul.f32 v26, v34;
	v63 =	vld [tilespmem:$0x2070]  }
0x62: {  	v33 =	vmul.f32 v30, v25;
	v12 =	vadd.f32 v27, v12;
	v27 =	vld [tilespmem:s18+$0x70]  }
0x63: {  	v6 =	vadd.f32 v6, v9;
	v9 =	vadd.f32 v28, v10;
	v10 =	vld [tilespmem:s18+$0x10F0]  }
0x64: {  	v11 =	vadd.f32 v33, v11;
	v28 =	vadd.f32 v8, v29;
	v33 =	vld [tilespmem:$0x20F0]  }
0x65: {  	v22 =	vadd.f32 v25, v22;
	v4 =	vadd.f32 v34, v4;
	v29 =	vmul.f32 v35, v32  }
0x66: {  	v30 =	vmul.f32 v30, v8;
	v28 =	vadd.f32 v24, v28;
	v35 =	vld [tilespmem:$0x21E0];
	v23 =	vadd.f32 v32, v23  }
0x67: {  	v26 =	vmul.f32 v26, v32;
	v4 =	vadd.f32 v31, v4;
	v12 =	vadd.f32 v29, v12;
	v29 =	vld [tilespmem:$0x2170]  }
0x68: {  	v7 =	vadd.f32 v30, v7;
	[tilespmem:$0x4290] =	vst v28;
	v28 =	vld [tilespmem:$0x21F0];
	v22 =	vadd.f32 v27, v22;
	v32 =	vmul.f32 v63, v10  }
0x69: {  	v23 =	vadd.f32 v10, v23;
	v5 =	vadd.f32 v26, v5;
	[tilespmem:$0x4220] =	vst v4;
	v10 =	vmul.f32 v33, v10  }
0x6a: {  	[tilespmem:$0x4210] =	vst v22;
	v22 =	vmul.f32 v63, v31;
	v63 =	vmul.f32 v33, v31;
	v12 =	vadd.f32 v32, v12  }
0x6b: {  	[tilespmem:$0x42A0] =	vst v23;
	v5 =	vadd.f32 v10, v5;
	v33 =	vmul.f32 v35, v25;
	v8 =	vmul.f32 v35, v8  }
0x6c: {  	v6 =	vadd.f32 v22, v6;
	v4 =	vadd.f32 v63, v9;
	[tilespmem:$0x42B0] =	vst v12;
	v34 =	vmul.f32 v29, v27  }
0x6d: {  	v32 =	vmul.f32 v28, v27;
	[tilespmem:$0x42C0] =	vst v5;
	v63 =	vmul.f32 v29, v24;
	v1 =	vadd.f32 v33, v1  }
0x6e: {  	v27 =	vmovc v13;
	v13 =	vmovc v14;
	v14 =	vmov v2;
	v2 =	vmov v15;
	[tilespmem:$0x4230] =	vst v6;
	v6 =	vadd.f32 v34, v11  }
0x6f: {  	v3 =	vadd.f32 v8, v3;
	[tilespmem:$0x4240] =	vst v4;
	v33 =	vadd.f32 v63, v7;
	v34 =	vmul.f32 v28, v24  }
0x70: {  	v1 =	vadd.f32 v32, v1;
	[tilespmem:$0x4250] =	vst v6  }
0x71: {  	v3 =	vadd.f32 v34, v3;
	[tilespmem:$0x42D0] =	vst v33  }
0x72: {  	[tilespmem:$0x4260] =	vst v1  }
0x73: {  	v15 =	vmov v16;
	[tilespmem:$0x42E0] =	vst v3  }
0x74: {  	v16 =	vmov v17;
	v1 =	vld.idx.msk [tilespmem:v2+s11+$0x0], $0xffff  }
0x75: {  	v17 =	vmov v18;
	v3 =	vld.idx.msk [tilespmem:v27+s11+$0x0], $0xffff  }
0x76: {  	v18 =	vmov v19;
	v4 =	vld.idx.msk [tilespmem:v13+s11+$0x0], $0xffff  }
0x77: {  	v19 =	vmov v20;
	v5 =	vld.idx.msk [tilespmem:v14+s11+$0x0], $0xffff  }
0x78: {  	v20 =	vmov v21;
	v6 =	vld.idx.msk [tilespmem:v15+s11+$0x0], $0xffff  }
0x79: {  	v35 =	vld.idx.msk [tilespmem:v16+s11+$0x0], $0xffff  }
0x7a: {  	v63 =	vld.idx.msk [tilespmem:v17+s11+$0x0], $0xffff  }
0x7b: {  	v32 =	vld.idx.msk [tilespmem:v18+s11+$0x0], $0xffff  }
0x7c: {  	v33 =	vld.idx.msk [tilespmem:v19+s11+$0x0], $0xffff  }
0x7d: {  	v34 =	vld.idx.msk [tilespmem:v20+s11+$0x0], $0xffff  }
0x7e: {  	v12 =	vld.idx.msk [tilespmem:v50+s11+$0x0], $0xffff  }
0x7f: {  	v22 =	vld.idx.msk [tilespmem:v52+s11+$0x0], $0xffff  }
0x80: {  	v23 =	vld.idx.msk [tilespmem:v53+s11+$0x0], $0xffff  }
0x81: {  	v24 =	vld.idx.msk [tilespmem:v55+s11+$0x0], $0xffff  }
0x82: {  	v25 =	vld.idx.msk [tilespmem:v56+s11+$0x0], $0xffff  }
0x83: {  	v26 =	vld.idx.msk [tilespmem:v58+s11+$0x0], $0xffff;
	_ =	sdelay $0x1  }
0x84: {  	v1 =	vadd.f32 v3, v1;
	v3 =	vadd.f32 v5, v4  }
0x85: {  	v21 =	vmov v50;
	v35 =	vadd.f32 v35, v6;
	v50 =	vadd.f32 v32, v63  }
0x86: {  	v29 =	vmovc v53;
	v28 =	vmov v52;
	v52 =	vadd.f32 v34, v33;
	v53 =	vadd.f32 v22, v12  }
0x87: {  	v30 =	vmov v55;
	v55 =	vadd.f32 v24, v23;
	v63 =	vadd.f32 v26, v25  }
0x88: {  	v1 =	vadd.f32 v3, v1;
	v3 =	vadd.f32 v50, v35  }
0x89: {  	v34 =	vadd.f32 v53, v52;
	v35 =	vadd.f32 v63, v55;
	_ =	sdelay $0x1  }
0x8a: {  	v25 =	vimm.s32 $0x1;
	v1 =	vadd.f32 v3, v1;
	v3 =	vadd.f32 v35, v34  }
0x8b: {  	v33 =	vimm.s32 $0x2  }
0x8c: {  	v32 =	vimm.s32 $0x3;
	v1 =	vadd.f32 v3, v1  }
0x8d: {  	v12 =	vimm.s32 $0x4  }
0x8e: {  	v22 =	vimm.s32 $0x5;
	v35 =	vld [tilespmem:$0x1FF80];
	[tilespmem:$0x4400] =	vst v1  }
0x8f: {  	v23 =	vimm.s32 $0x6;
	v1 =	vld.idx.msk [tilespmem:v25+s12+$0x0], $0xffff  }
0x90: {  	v24 =	vimm.s32 $0x9;
	v3 =	vld.idx.msk [tilespmem:v33+s12+$0x0], $0xffff  }
0x91: {  	v26 =	vimm.s32 $0xA;
	v50 =	vld.idx.msk [tilespmem:v32+s12+$0x0], $0xffff  }
0x92: {  	v63 =	vimm.s32 $0xC;
	v52 =	vld.idx.msk [tilespmem:v12+s12+$0x0], $0xffff  }
0x93: {  	v53 =	vld.idx.msk [tilespmem:v22+s12+$0x0], $0xffff  }
0x94: {  	v55 =	vld.idx.msk [tilespmem:v23+s12+$0x0], $0xffff  }
0x95: {  	v8 =	vld.idx.msk [tilespmem:v24+s12+$0x0], $0xffff  }
0x96: {  	v9 =	vld.idx.msk [tilespmem:v26+s12+$0x0], $0xffff;
	v32 =	vimm.s32 $0xB  }
0x97: {  	v12 =	vimm.s32 $0xD;
	v11 =	vld.idx.msk [tilespmem:v63+s12+$0x0], $0xffff  }
0x98: {  	v22 =	vimm.s32 $0xE;
	v63 =	vld [tilespmem:$0x1FF70]  }
0x99: {  	v4 =	vmul.f32 v50, v1;
	v50 =	vld [tilespmem:$0x1FF60]  }
0x9a: {  	v5 =	vmul.f32 v53, v3;
	v3 =	vmul.f32 v55, v3;
	v55 =	vld [tilespmem:$0x1FF90]  }
0x9b: {  	v10 =	vld.idx.msk [tilespmem:v32+s12+$0x0], $0xffff;
	v1 =	vmul.f32 v52, v1  }
0x9c: {  	v33 =	vld.idx.msk [tilespmem:v12+s12+$0x0], $0xffff  }
0x9d: {  	v12 =	vld.idx.msk [tilespmem:v22+s12+$0x0], $0xffff;
	v22 =	vmul.f32 v1, v35  }
0x9e: {  	v23 =	vmul.f32 v5, v63;
	v34 =	vmul.f32 v4, v50  }
0x9f: {  	v24 =	vmul.f32 v3, v55;
	v1 =	vmul.f32 v1, v50  }
0xa0: {  	v4 =	vmul.f32 v4, v35;
	v3 =	vmul.f32 v3, v63  }
0xa1: {  	v10 =	vmul.f32 v10, v8;
	v8 =	vmul.f32 v11, v8  }
0xa2: {  	v32 =	vmul.f32 v33, v9;
	v33 =	vmul.f32 v12, v9;
	v1 =	vsub.f32 v1, v4  }
0xa3: {  	v7 =	vadd.f32 v22, v34;
	v34 =	vmul.f32 v10, v50;
	v11 =	vmul.f32 v8, v35  }
0xa4: {  	v35 =	vmul.f32 v10, v35;
	v1 =	vadd.f32 v3, v1;
	v3 =	vmul.f32 v8, v50  }
0xa5: {  	v5 =	vmul.f32 v5, v55;
	v53 =	vmul.f32 v33, v63;
	v7 =	vadd.f32 v23, v7  }
0xa6: {  	v9 =	vadd.f32 v11, v34;
	v50 =	vmul.f32 v32, v63;
	v3 =	vsub.f32 v3, v35  }
0xa7: {  	v6 =	vmul.f32 v33, v55;
	v7 =	vadd.f32 v24, v7;
	v1 =	vsub.f32 v1, v5  }
0xa8: {  	v4 =	vmul.f32 v32, v55;
	v63 =	vadd.f32 v50, v9;
	v3 =	vadd.f32 v53, v3  }
0xa9: {  	v7 =	vmul.f32 v7, v7  }
0xaa: {  	v1 =	vmul.f32 v1, v1;
	v5 =	vadd.f32 v6, v63;
	v3 =	vsub.f32 v3, v4;
	_ =	sdelay $0x1  }
0xab: {  	v1 =	vadd.f32 v1, v7;
	v8 =	vmul.f32 v5, v5;
	v3 =	vmul.f32 v3, v3;
	_ =	sdelay $0x1  }
0xac: {  	v1 =	vnsel vm0, $0xBF800000, v1;
	v3 =	vadd.f32 v3, v8  }
0xad: {  	(xrf1) =	vsort.dscd.msk.f32 $0xffff, v1, v0  }
0xae: {  	v1 =	vnsel vm0, $0xBF800000, v3  }
0xaf: {  	(xrf1) =	vsort.dscd.msk.f32 $0xffff, v1, v0;
	_ =	sdelay $0xb  }
0xb0: {  	v26 =	vimm.s32 $0x10;
	_, v1, _ =	vpop (xrf1)  }
0xb1: {  	v9 =	vimm.s32 $0x21;
	[tilespmem:$0x4480] =	vst v1  }
0xb2: {  	[tilespmem:$0x4490] =	vst v1;
	_, v3, _ =	vpop (xrf1)  }
0xb3: {  	[tilespmem:$0x44A0] =	vst v3  }
0xb4: {  	[tilespmem:$0x44B0] =	vst v3;
	v3 =	vimm.s32 $0x30  }
0xb5: {  	v1 =	vld.idx.msk [tilespmem:v26+s13+$0x0], $0xffff  }
0xb6: {  	v11 =	vld.idx.msk [tilespmem:v9+s13+$0x0], $0xffff;
	_ =	sdelay $0x1  }
0xb7: {  	v10 =	vld.idx.msk [tilespmem:v25+s13+$0x0], $0xffff  }
0xb8: {  	v3 =	vld.idx.msk [tilespmem:v3+s13+$0x0], $0xffff;
	_ =	sdelay $0x1  }
0xb9: {  	v4 =	vshll.u32 v1, $0x8;
	v63 =	vshll.u32 v11, $0x8  }
0xba: {  	v32 =	vadd.s32 v44, v4;
	v35 =	vadd.s32 v44, v63  }
0xbb: {  	v12 =	vadd.s32 v60, v63;
	v5 =	vand.u32 $0xFFFFFF00, v32;
	v8 =	vand.u32 $0xFFFFFF00, v35  }
0xbc: {  	v5 =	vor.u32 v0, v5;
	v1 =	vshll.u32 v3, $0x8;
	v3 =	vshll.u32 v10, $0x8  }
0xbd: {  	v12 =	vand.u32 $0xFFFFFF80, v12;
	v8 =	vor.u32 v0, v8;
	v33 =	vadd.s32 v44, v3  }
0xbe: {  	v12 =	vor.u32 v0, v12;
	v34 =	vadd.s32 v44, v1;
	v6 =	vand.u32 $0xFFFFFF00, v33  }
0xbf: {  	v26 =	vmovc v44;
	v22 =	vld [tilespmem:s18+$0x0];
	v44 =	vadd.s32 v60, v4;
	v7 =	vand.u32 $0xFFFFFF00, v34;
	v6 =	vor.u32 v0, v6  }
0xc0: {  	v23 =	vld [tilespmem:s18+$0x1000];
	v50 =	vadd.s32 v60, v3;
	v9 =	vand.u32 $0xFFFFFF80, v44;
	v7 =	vor.u32 v0, v7  }
0xc1: {  	v52 =	vadd.s32 v60, v1;
	v10 =	vand.u32 $0xFFFFFF80, v50;
	v9 =	vor.u32 v0, v9;
	v5 =	vld.idx.msk [tilespmem:v5+s9+$0x0], $0xffff  }
0xc2: {  	v11 =	vand.u32 $0xFFFFFF80, v52;
	v10 =	vor.u32 v0, v10;
	v8 =	vld.idx.msk [tilespmem:v8+s9+$0x0], $0xffff  }
0xc3: {  	v11 =	vor.u32 v0, v11;
	v12 =	vld.idx.msk [tilespmem:v12+s9+$0x0], $0xffff  }
0xc4: {  	v6 =	vld.idx.msk [tilespmem:v6+s9+$0x0], $0xffff  }
0xc5: {  	v7 =	vld.idx.msk [tilespmem:v7+s9+$0x0], $0xffff  }
0xc6: {  	v9 =	vld.idx.msk [tilespmem:v9+s9+$0x0], $0xffff  }
0xc7: {  	v10 =	vld.idx.msk [tilespmem:v10+s9+$0x0], $0xffff  }
0xc8: {  	v11 =	vld.idx.msk [tilespmem:v11+s9+$0x0], $0xffff  }
0xc9: {  	v24 =	vld [tilespmem:s18+$0x80]  }
0xca: {  	v25 =	vld [tilespmem:s18+$0x1080];
	v32 =	vadd.s32 v61, v4  }
0xcb: {  	v35 =	vadd.s32 v61, v63;
	v34 =	vadd.s32 v61, v1;
	v44 =	vadd.s32 v62, v4  }
0xcc: {  	v52 =	vand.u32 $0xFFFFFF80, v44;
	v5 =	vadd.f32 v6, v5;
	v53 =	vadd.f32 v10, v9  }
0xcd: {  	v7 =	vadd.f32 v8, v7;
	v55 =	vadd.f32 v12, v11;
	v9 =	vand.u32 $0xFFFFFF00, v34  }
0xce: {  	v10 =	vand.u32 $0xFFFFFF00, v35;
	v5 =	vmul.f32 v22, v5;
	v6 =	vmul.f32 v23, v53  }
0xcf: {  	v9 =	vor.u32 v39, v9;
	v7 =	vmul.f32 v24, v7;
	v8 =	vmul.f32 v25, v55  }
0xd0: {  	v12 =	vadd.s32 v62, v63;
	v50 =	vor.u32 v39, v10;
	v5 =	vadd.f32 v6, v5  }
0xd1: {  	v12 =	vand.u32 $0xFFFFFF80, v12;
	v55 =	vor.u32 v39, v52;
	v7 =	vadd.f32 v8, v7  }
0xd2: {  	v33 =	vadd.s32 v61, v3;
	v12 =	vor.u32 v39, v12;
	v22 =	vld [tilespmem:s18+$0x10];
	v6 =	vand.u32 $0xFFFFFF00, v32;
	[tilespmem:s18+$0x3200] =	vst v5  }
0xd3: {  	v53 =	vadd.s32 v62, v3;
	v23 =	vld [tilespmem:s18+$0x1010];
	v8 =	vand.u32 $0xFFFFFF00, v33;
	v6 =	vor.u32 v39, v6;
	[tilespmem:s18+$0x3280] =	vst v7  }
0xd4: {  	v32 =	vand.u32 $0xFFFFFF80, v53;
	v33 =	vadd.s32 v62, v1;
	v8 =	vor.u32 v39, v8;
	v9 =	vld.idx.msk [tilespmem:v9+s9+$0x0], $0xffff  }
0xd5: {  	v10 =	vor.u32 v39, v32;
	v11 =	vand.u32 $0xFFFFFF80, v33;
	v5 =	vld.idx.msk [tilespmem:v50+s9+$0x0], $0xffff  }
0xd6: {  	v11 =	vor.u32 v39, v11;
	v7 =	vld.idx.msk [tilespmem:v55+s9+$0x0], $0xffff  }
0xd7: {  	v12 =	vld.idx.msk [tilespmem:v12+s9+$0x0], $0xffff  }
0xd8: {  	v6 =	vld.idx.msk [tilespmem:v6+s9+$0x0], $0xffff  }
0xd9: {  	v8 =	vld.idx.msk [tilespmem:v8+s9+$0x0], $0xffff  }
0xda: {  	v10 =	vld.idx.msk [tilespmem:v10+s9+$0x0], $0xffff  }
0xdb: {  	v11 =	vld.idx.msk [tilespmem:v11+s9+$0x0], $0xffff  }
0xdc: {  	v24 =	vld [tilespmem:s18+$0x90]  }
0xdd: {  	v25 =	vld [tilespmem:s18+$0x1090];
	v53 =	vadd.s32 v37, v4  }
0xde: {  	v35 =	vadd.s32 v36, v4;
	v52 =	vadd.s32 v36, v63;
	v32 =	vand.u32 $0xFFFFFF80, v53  }
0xdf: {  	v50 =	vadd.s32 v36, v1;
	v6 =	vadd.f32 v8, v6;
	v7 =	vadd.f32 v10, v7  }
0xe0: {  	v5 =	vadd.f32 v5, v9;
	v9 =	vand.u32 $0xFFFFFF00, v50;
	v34 =	vadd.f32 v12, v11  }
0xe1: {  	v9 =	vor.u32 v42, v9;
	v6 =	vmul.f32 v22, v6;
	v7 =	vmul.f32 v23, v7  }
0xe2: {  	v5 =	vmul.f32 v24, v5;
	v10 =	vand.u32 $0xFFFFFF00, v52;
	v8 =	vmul.f32 v25, v34  }
0xe3: {  	v55 =	vor.u32 v42, v10;
	v12 =	vadd.s32 v37, v63;
	v6 =	vadd.f32 v7, v6  }
0xe4: {  	v12 =	vand.u32 $0xFFFFFF80, v12;
	v34 =	vor.u32 v42, v32;
	v5 =	vadd.f32 v8, v5  }
0xe5: {  	v33 =	vadd.s32 v37, v3;
	v24 =	vld [tilespmem:s18+$0xA0];
	v12 =	vor.u32 v42, v12;
	v7 =	vand.u32 $0xFFFFFF00, v35;
	[tilespmem:s18+$0x3210] =	vst v6  }
0xe6: {  	v44 =	vadd.s32 v36, v3;
	v22 =	vld [tilespmem:s18+$0x20];
	v35 =	vand.u32 $0xFFFFFF80, v33;
	v7 =	vor.u32 v42, v7;
	[tilespmem:s18+$0x3290] =	vst v5  }
0xe7: {  	v8 =	vand.u32 $0xFFFFFF00, v44;
	v44 =	vadd.s32 v37, v1;
	v10 =	vor.u32 v42, v35;
	v9 =	vld.idx.msk [tilespmem:v9+s9+$0x0], $0xffff  }
0xe8: {  	v8 =	vor.u32 v42, v8;
	v11 =	vand.u32 $0xFFFFFF80, v44;
	v6 =	vld.idx.msk [tilespmem:v55+s9+$0x0], $0xffff  }
0xe9: {  	v11 =	vor.u32 v42, v11;
	v5 =	vld.idx.msk [tilespmem:v34+s9+$0x0], $0xffff  }
0xea: {  	v12 =	vld.idx.msk [tilespmem:v12+s9+$0x0], $0xffff  }
0xeb: {  	v7 =	vld.idx.msk [tilespmem:v7+s9+$0x0], $0xffff  }
0xec: {  	v10 =	vld.idx.msk [tilespmem:v10+s9+$0x0], $0xffff  }
0xed: {  	v8 =	vld.idx.msk [tilespmem:v8+s9+$0x0], $0xffff  }
0xee: {  	v11 =	vld.idx.msk [tilespmem:v11+s9+$0x0], $0xffff  }
0xef: {  	v23 =	vld [tilespmem:s18+$0x1020]  }
0xf0: {  	v25 =	vld [tilespmem:s18+$0x10A0];
	v33 =	vadd.s32 v40, v4  }
0xf1: {  	v52 =	vadd.s32 v38, v4;
	v32 =	vadd.s32 v38, v63;
	v35 =	vand.u32 $0xFFFFFF80, v33  }
0xf2: {  	v55 =	vadd.s32 v38, v1;
	v5 =	vadd.f32 v10, v5;
	v7 =	vadd.f32 v8, v7  }
0xf3: {  	v6 =	vadd.f32 v6, v9;
	v9 =	vand.u32 $0xFFFFFF00, v55;
	v50 =	vadd.f32 v12, v11  }
0xf4: {  	v9 =	vor.u32 v45, v9;
	v5 =	vmul.f32 v23, v5;
	v7 =	vmul.f32 v22, v7  }
0xf5: {  	v6 =	vmul.f32 v24, v6;
	v10 =	vand.u32 $0xFFFFFF00, v32;
	v8 =	vmul.f32 v25, v50  }
0xf6: {  	v34 =	vor.u32 v45, v10;
	v12 =	vadd.s32 v40, v63;
	v5 =	vadd.f32 v5, v7  }
0xf7: {  	v12 =	vand.u32 $0xFFFFFF80, v12;
	v50 =	vor.u32 v45, v35;
	v6 =	vadd.f32 v8, v6  }
0xf8: {  	v44 =	vadd.s32 v40, v3;
	v24 =	vld [tilespmem:s18+$0xB0];
	v12 =	vor.u32 v45, v12;
	v7 =	vand.u32 $0xFFFFFF00, v52;
	[tilespmem:s18+$0x3220] =	vst v5  }
0xf9: {  	v53 =	vadd.s32 v38, v3;
	v23 =	vld [tilespmem:s18+$0x1030];
	v52 =	vand.u32 $0xFFFFFF80, v44;
	v7 =	vor.u32 v45, v7;
	[tilespmem:s18+$0x32A0] =	vst v6  }
0xfa: {  	v8 =	vand.u32 $0xFFFFFF00, v53;
	v53 =	vadd.s32 v40, v1;
	v10 =	vor.u32 v45, v52;
	v9 =	vld.idx.msk [tilespmem:v9+s9+$0x0], $0xffff  }
0xfb: {  	v8 =	vor.u32 v45, v8;
	v11 =	vand.u32 $0xFFFFFF80, v53;
	v5 =	vld.idx.msk [tilespmem:v34+s9+$0x0], $0xffff  }
0xfc: {  	v11 =	vor.u32 v45, v11;
	v6 =	vld.idx.msk [tilespmem:v50+s9+$0x0], $0xffff  }
0xfd: {  	v12 =	vld.idx.msk [tilespmem:v12+s9+$0x0], $0xffff  }
0xfe: {  	v7 =	vld.idx.msk [tilespmem:v7+s9+$0x0], $0xffff  }
0xff: {  	v10 =	vld.idx.msk [tilespmem:v10+s9+$0x0], $0xffff  }
0x100: {  	v8 =	vld.idx.msk [tilespmem:v8+s9+$0x0], $0xffff  }
0x101: {  	v11 =	vld.idx.msk [tilespmem:v11+s9+$0x0], $0xffff  }
0x102: {  	v22 =	vld [tilespmem:s18+$0x30]  }
0x103: {  	v25 =	vld [tilespmem:s18+$0x10B0];
	v44 =	vadd.s32 v43, v4  }
0x104: {  	v32 =	vadd.s32 v41, v4;
	v35 =	vadd.s32 v41, v63;
	v52 =	vand.u32 $0xFFFFFF80, v44  }
0x105: {  	v34 =	vadd.s32 v41, v1;
	v6 =	vadd.f32 v10, v6;
	v7 =	vadd.f32 v8, v7  }
0x106: {  	v5 =	vadd.f32 v5, v9;
	v9 =	vand.u32 $0xFFFFFF00, v34;
	v55 =	vadd.f32 v12, v11  }
0x107: {  	v9 =	vor.u32 v48, v9;
	v6 =	vmul.f32 v23, v6;
	v7 =	vmul.f32 v22, v7  }
0x108: {  	v5 =	vmul.f32 v24, v5;
	v10 =	vand.u32 $0xFFFFFF00, v35;
	v8 =	vmul.f32 v25, v55  }
0x109: {  	v50 =	vor.u32 v48, v10;
	v12 =	vadd.s32 v43, v63;
	v6 =	vadd.f32 v6, v7  }
0x10a: {  	v12 =	vand.u32 $0xFFFFFF80, v12;
	v55 =	vor.u32 v48, v52;
	v5 =	vadd.f32 v8, v5  }
0x10b: {  	v53 =	vadd.s32 v43, v3;
	v24 =	vld [tilespmem:s18+$0xC0];
	v12 =	vor.u32 v48, v12;
	v7 =	vand.u32 $0xFFFFFF00, v32;
	[tilespmem:s18+$0x3230] =	vst v6  }
0x10c: {  	v33 =	vadd.s32 v41, v3;
	v23 =	vld [tilespmem:s18+$0x1040];
	v32 =	vand.u32 $0xFFFFFF80, v53;
	v7 =	vor.u32 v48, v7;
	[tilespmem:s18+$0x32B0] =	vst v5  }
0x10d: {  	v8 =	vand.u32 $0xFFFFFF00, v33;
	v33 =	vadd.s32 v43, v1;
	v10 =	vor.u32 v48, v32;
	v9 =	vld.idx.msk [tilespmem:v9+s9+$0x0], $0xffff  }
0x10e: {  	v8 =	vor.u32 v48, v8;
	v11 =	vand.u32 $0xFFFFFF80, v33;
	v6 =	vld.idx.msk [tilespmem:v50+s9+$0x0], $0xffff  }
0x10f: {  	v11 =	vor.u32 v48, v11;
	v5 =	vld.idx.msk [tilespmem:v55+s9+$0x0], $0xffff  }
0x110: {  	v12 =	vld.idx.msk [tilespmem:v12+s9+$0x0], $0xffff  }
0x111: {  	v7 =	vld.idx.msk [tilespmem:v7+s9+$0x0], $0xffff  }
0x112: {  	v10 =	vld.idx.msk [tilespmem:v10+s9+$0x0], $0xffff  }
0x113: {  	v8 =	vld.idx.msk [tilespmem:v8+s9+$0x0], $0xffff  }
0x114: {  	v11 =	vld.idx.msk [tilespmem:v11+s9+$0x0], $0xffff  }
0x115: {  	v22 =	vld [tilespmem:s18+$0x40]  }
0x116: {  	v25 =	vld [tilespmem:s18+$0x10C0];
	v53 =	vadd.s32 v46, v4  }
0x117: {  	v35 =	vadd.s32 v59, v4;
	v52 =	vadd.s32 v59, v63;
	v32 =	vand.u32 $0xFFFFFF80, v53  }
0x118: {  	v50 =	vadd.s32 v59, v1;
	v5 =	vadd.f32 v10, v5;
	v7 =	vadd.f32 v8, v7  }
0x119: {  	v6 =	vadd.f32 v6, v9;
	v9 =	vand.u32 $0xFFFFFF00, v50;
	v34 =	vadd.f32 v12, v11  }
0x11a: {  	v9 =	vor.u32 v51, v9;
	v5 =	vmul.f32 v23, v5;
	v7 =	vmul.f32 v22, v7  }
0x11b: {  	v6 =	vmul.f32 v24, v6;
	v10 =	vand.u32 $0xFFFFFF00, v52;
	v8 =	vmul.f32 v25, v34  }
0x11c: {  	v55 =	vor.u32 v51, v10;
	v12 =	vadd.s32 v46, v63;
	v5 =	vadd.f32 v5, v7  }
0x11d: {  	v12 =	vand.u32 $0xFFFFFF80, v12;
	v34 =	vor.u32 v51, v32;
	v6 =	vadd.f32 v8, v6  }
0x11e: {  	v33 =	vadd.s32 v46, v3;
	v24 =	vld [tilespmem:s18+$0xD0];
	v12 =	vor.u32 v51, v12;
	v7 =	vand.u32 $0xFFFFFF00, v35;
	[tilespmem:s18+$0x3240] =	vst v5  }
0x11f: {  	v44 =	vadd.s32 v59, v3;
	v23 =	vld [tilespmem:s18+$0x1050];
	v35 =	vand.u32 $0xFFFFFF80, v33;
	v7 =	vor.u32 v51, v7;
	[tilespmem:s18+$0x32C0] =	vst v6  }
0x120: {  	v8 =	vand.u32 $0xFFFFFF00, v44;
	v44 =	vadd.s32 v46, v1;
	v10 =	vor.u32 v51, v35;
	v9 =	vld.idx.msk [tilespmem:v9+s9+$0x0], $0xffff  }
0x121: {  	v8 =	vor.u32 v51, v8;
	v11 =	vand.u32 $0xFFFFFF80, v44;
	v5 =	vld.idx.msk [tilespmem:v55+s9+$0x0], $0xffff  }
0x122: {  	v11 =	vor.u32 v51, v11;
	v6 =	vld.idx.msk [tilespmem:v34+s9+$0x0], $0xffff  }
0x123: {  	v12 =	vld.idx.msk [tilespmem:v12+s9+$0x0], $0xffff  }
0x124: {  	v7 =	vld.idx.msk [tilespmem:v7+s9+$0x0], $0xffff  }
0x125: {  	v10 =	vld.idx.msk [tilespmem:v10+s9+$0x0], $0xffff  }
0x126: {  	v8 =	vld.idx.msk [tilespmem:v8+s9+$0x0], $0xffff  }
0x127: {  	v11 =	vld.idx.msk [tilespmem:v11+s9+$0x0], $0xffff  }
0x128: {  	v22 =	vld [tilespmem:s18+$0x50]  }
0x129: {  	v52 =	vadd.s32 v47, v4;
	v25 =	vld [tilespmem:s18+$0x10D0];
	v32 =	vadd.s32 v47, v63;
	v33 =	vadd.s32 v49, v4  }
0x12a: {  	v35 =	vand.u32 $0xFFFFFF80, v33;
	v55 =	vadd.s32 v47, v1;
	v5 =	vadd.f32 v5, v9  }
0x12b: {  	v9 =	vand.u32 $0xFFFFFF00, v55;
	v6 =	vadd.f32 v10, v6;
	v7 =	vadd.f32 v8, v7  }
0x12c: {  	v44 =	vadd.s32 v49, v3;
	v9 =	vor.u32 v54, v9;
	v50 =	vadd.f32 v12, v11  }
0x12d: {  	v10 =	vand.u32 $0xFFFFFF00, v32;
	v6 =	vmul.f32 v23, v6;
	v7 =	vmul.f32 v22, v7  }
0x12e: {  	v5 =	vmul.f32 v24, v5;
	v34 =	vor.u32 v54, v10;
	v8 =	vmul.f32 v25, v50  }
0x12f: {  	v12 =	vadd.s32 v49, v63;
	v50 =	vor.u32 v54, v35;
	v6 =	vadd.f32 v6, v7  }
0x130: {  	v7 =	vand.u32 $0xFFFFFF00, v52;
	v52 =	vand.u32 $0xFFFFFF80, v44;
	v5 =	vadd.f32 v8, v5  }
0x131: {  	v24 =	vld [tilespmem:s18+$0xE0];
	v12 =	vand.u32 $0xFFFFFF80, v12;
	v10 =	vor.u32 v54, v52;
	[tilespmem:s18+$0x3250] =	vst v6  }
0x132: {  	v53 =	vadd.s32 v47, v3;
	v23 =	vld [tilespmem:s18+$0x1060];
	v12 =	vor.u32 v54, v12;
	[tilespmem:s18+$0x32D0] =	vst v5  }
0x133: {  	v7 =	vor.u32 v54, v7;
	v8 =	vand.u32 $0xFFFFFF00, v53;
	v53 =	vadd.s32 v49, v1;
	v9 =	vld.idx.msk [tilespmem:v9+s9+$0x0], $0xffff  }
0x134: {  	v8 =	vor.u32 v54, v8;
	v11 =	vand.u32 $0xFFFFFF80, v53;
	v6 =	vld.idx.msk [tilespmem:v34+s9+$0x0], $0xffff  }
0x135: {  	v11 =	vor.u32 v54, v11;
	v5 =	vld.idx.msk [tilespmem:v50+s9+$0x0], $0xffff  }
0x136: {  	v10 =	vld.idx.msk [tilespmem:v10+s9+$0x0], $0xffff  }
0x137: {  	v12 =	vld.idx.msk [tilespmem:v12+s9+$0x0], $0xffff  }
0x138: {  	v7 =	vld.idx.msk [tilespmem:v7+s9+$0x0], $0xffff  }
0x139: {  	v8 =	vld.idx.msk [tilespmem:v8+s9+$0x0], $0xffff  }
0x13a: {  	v11 =	vld.idx.msk [tilespmem:v11+s9+$0x0], $0xffff  }
0x13b: {  	v22 =	vld [tilespmem:s18+$0x60];
	v5 =	vadd.f32 v10, v5  }
0x13c: {  	v25 =	vld [tilespmem:s18+$0x10E0]  }
0x13d: {  	v5 =	vmul.f32 v23, v5;
	v23 =	vld [tilespmem:$0x1FFE0]  }
0x13e: {  	v7 =	vadd.f32 v8, v7  }
0x13f: {  	v6 =	vadd.f32 v6, v9;
	v55 =	vadd.f32 v12, v11  }
0x140: {  	v7 =	vmul.f32 v22, v7  }
0x141: {  	v6 =	vmul.f32 v24, v6;
	v24 =	vld [tilespmem:$0x1FFF0];
	v8 =	vmul.f32 v25, v55  }
0x142: {  	v5 =	vadd.f32 v5, v7;
	v32 =	vadd.s32 v23, v4  }
0x143: {  	v6 =	vadd.f32 v8, v6;
	v33 =	vadd.s32 v23, v3;
	v7 =	vand.u32 $0xFFFFFF00, v32  }
0x144: {  	v34 =	vadd.s32 v23, v1;
	v8 =	vand.u32 $0xFFFFFF00, v33;
	v7 =	vor.u32 v57, v7  }
0x145: {  	v35 =	vadd.s32 v23, v63;
	v9 =	vand.u32 $0xFFFFFF00, v34;
	v8 =	vor.u32 v57, v8  }
0x146: {  	v4 =	vadd.s32 v24, v4;
	v10 =	vand.u32 $0xFFFFFF00, v35;
	v9 =	vor.u32 v57, v9  }
0x147: {  	v52 =	vld [tilespmem:s18+$0x70];
	[tilespmem:s18+$0x3260] =	vst v5;
	v3 =	vadd.s32 v24, v3;
	v4 =	vand.u32 $0xFFFFFF80, v4;
	v44 =	vor.u32 v57, v10  }
0x148: {  	v53 =	vld [tilespmem:s18+$0x1070];
	v1 =	vadd.s32 v24, v1;
	[tilespmem:s18+$0x32E0] =	vst v6;
	v3 =	vand.u32 $0xFFFFFF80, v3;
	v4 =	vor.u32 v57, v4  }
0x149: {  	v50 =	vadd.s32 v24, v63;
	v1 =	vand.u32 $0xFFFFFF80, v1;
	v3 =	vor.u32 v57, v3;
	v6 =	vld.idx.msk [tilespmem:v7+s9+$0x0], $0xffff  }
0x14a: {  	v1 =	vor.u32 v57, v1;
	v8 =	vld.idx.msk [tilespmem:v8+s9+$0x0], $0xffff;
	v7 =	vand.u32 $0xFFFFFF80, v50  }
0x14b: {  	v9 =	vld.idx.msk [tilespmem:v9+s9+$0x0], $0xffff;
	v7 =	vor.u32 v57, v7  }
0x14c: {  	v5 =	vld.idx.msk [tilespmem:v44+s9+$0x0], $0xffff  }
0x14d: {  	v4 =	vld.idx.msk [tilespmem:v4+s9+$0x0], $0xffff  }
0x14e: {  	v3 =	vld.idx.msk [tilespmem:v3+s9+$0x0], $0xffff  }
0x14f: {  	v1 =	vld.idx.msk [tilespmem:v1+s9+$0x0], $0xffff  }
0x150: {  	v7 =	vld.idx.msk [tilespmem:v7+s9+$0x0], $0xffff  }
0x151: {  	v12 =	vld [tilespmem:s18+$0xF0]  }
0x152: {  	v22 =	vld [tilespmem:s18+$0x10F0];
	_ =	sdelay $0x1  }
0x153: {  	v6 =	vadd.f32 v8, v6;
	v3 =	vadd.f32 v3, v4  }
0x154: {  	v55 =	vadd.f32 v5, v9;
	v1 =	vadd.f32 v7, v1  }
0x155: {  	p0 =	sne.s32 s17, $0x3C00;
	v63 =	vmul.f32 v52, v6;
	v3 =	vmul.f32 v53, v3  }
.Ltmp0:
0x156: {  	v4 =	vmul.f32 v12, v55;
	v1 =	vmul.f32 v22, v1;
	(pc) =	sbr.rel @p0 .LBB2_2-.Ltmp0, $4  }
0x157: {  	v3 =	vadd.f32 v3, v63  }
0x158: {  	v1 =	vadd.f32 v1, v4  }
0x159: {  	[tilespmem:s18+$0x3270] =	vst v3  }
0x15a: {  	s17 =	sadd.s32 $0x400, s17;
	[tilespmem:s18+$0x32F0] =	vst v1  }
0x15b: {  	s16 =	sadd.s32 $0x1, s16  }
0x15c: {  	p0 =	sne.s32 s16, s7  }
.Ltmp1:
0x15d: {  	_ = 	snop;
	(pc) =	sbr.rel @p0 .LBB2_1-.Ltmp1, $4  }
0x15e: {  	[hbm4b:s6+s1] =	stream.linear.scatter [tilespmem:s14], [sflag:$0x2], $0x1000, $0x38;
	[tilespmem:$0x4500] =	vst v63  }
0x15f: {  	_ =	swait.ge [sflag:s15], $0x1000  }
0x160: {  	[sflag:s15] =	ssyncset.done $0x0  }
0x161: {  	[sflag:s15] =	ssyncadd.s32 $0xFFFFF000  }
0x162: {  	_ =	sfence.sel $0x180000  }
0x163: {  	[bflag:$0x0] =	sbarrier.arrive $0xFFFF  }
0x164: {  	p0 =	sne.s32 s2, $0x0;
	_ =	strace $0x90000047  }
0x165: {  	s0 =	sadd.s32 @!p0 $0x100000, s0;
	[bflag:$0x2] =	sbarrier.arrive $0xFFFF  }
0x166: {  	[sflag:s0] =	ssyncadd.tile.s32 @!p0 $0x1;
	_ =	shalt  }
.Lfunc_end2:
_tile_overlayer_lowered:
.L_overlay_start_2:
0x167: {  	(tag) =	ssettag $0x2  }
0x168: {  	s0 =	rddreg [dreg:$0x0];
	s2 =	stileid.u32  }
0x169: {  	s1 =	rddreg [dreg:$0x1];
	p0 =	sne.s32 s2, $0x0  }
0x16a: {  	s3 =	rddreg [dreg:$0x2];
	[bflag:$0x3] =	sbarrier.arrive $0xFFFF;
	s2 =	simm.s32 @!p0 $0x1C02  }
0x16b: {  	[timem:s3], [sflag:s2] =	dma.local @!p0 [hbm:s0], s1  }
0x16c: {  	s0 =	simm.s32 @!p0 $0x2  }
0x16d: {  	_ =	swait.ge @!p0 [sflag:s0], s1  }
0x16e: {  	s1 =	ssub.s32 @!p0 $0x0, s1;
	[sflag:s0] =	ssyncset.done @!p0 $0x0  }
0x16f: {  	[sflag:s0] =	ssyncadd.s32 @!p0 s1  }
0x170: {  	[bflag:$0x3] =	sbarrier.arrive $0xFFFF  }
0x171: {  	_ =	shalt  }

</sc_bundles>
